<compile_context>
chip_gen: v7x
topology: tpu7x:2x2x1
jax: 0.10.2.dev20260603
libtpu: 0.0.44.dev20260713+nightly
codegen_flags: <defaults>
</compile_context>

<pallas_src>
import functools
import math

import jax
import jax.numpy as jnp
from jax import lax
from jax.experimental import pallas as pl
from jax.experimental.pallas import tpu as pltpu
from jax.experimental.pallas import tpu_sc as plsc

D_MODEL = 64
LANES = 16
NUM_WORKERS = 32
IDX_MINOR = 128
GATHERS_PER_CHUNK = 4
CHUNK = IDX_MINOR * GATHERS_PER_CHUNK
SCALE = math.sqrt(D_MODEL)


def _make_sc_lookup(batch, d_model):
    assert d_model == D_MODEL
    assert batch % (NUM_WORKERS * CHUNK) == 0
    rows_per_w = batch // NUM_WORKERS
    idx_rows_per_w = rows_per_w // IDX_MINOR
    n_chunks = rows_per_w // CHUNK

    mesh = plsc.VectorSubcoreMesh(core_axis_name="c", subcore_axis_name="s")

    @functools.partial(
        pl.kernel,
        mesh=mesh,
        out_type=jax.ShapeDtypeStruct((batch, d_model), jnp.float32),
        compiler_params=pltpu.CompilerParams(use_tc_tiling_on_sc=False),
        scratch_types=[
            pltpu.VMEM((idx_rows_per_w, IDX_MINOR), jnp.int32),
            pltpu.VMEM((CHUNK, D_MODEL), jnp.float32),
            pltpu.VMEM((CHUNK, D_MODEL), jnp.float32),
            pltpu.SemaphoreType.DMA,
            pltpu.SemaphoreType.DMA,
        ],
    )
    def sc_lookup(idx_hbm, table_hbm, out_hbm, idx_v, rows0, rows1, sem0, sem1):
        wid = lax.axis_index("s") * 2 + lax.axis_index("c")
        idx_row_base = wid * idx_rows_per_w
        out_base = wid * rows_per_w

        rows = (rows0, rows1)
        sems = (sem0, sem1)

        pltpu.sync_copy(idx_hbm.at[pl.ds(idx_row_base, idx_rows_per_w)], idx_v)

        def fire(chunk, buf):
            for g in range(GATHERS_PER_CHUNK):
                pltpu.async_copy(
                    table_hbm.at[idx_v.at[chunk * GATHERS_PER_CHUNK + g]],
                    rows[buf].at[pl.ds(g * IDX_MINOR, IDX_MINOR)],
                    sems[buf],
                )

        def drain(chunk, buf):
            for g in range(GATHERS_PER_CHUNK):
                pltpu.make_async_copy(
                    table_hbm.at[idx_v.at[chunk * GATHERS_PER_CHUNK + g]],
                    rows[buf].at[pl.ds(g * IDX_MINOR, IDX_MINOR)],
                    sems[buf],
                ).wait()

        fire(0, 0)
        fire(1, 1)

        def chunk_body(i, carry):
            for buf in range(2):
                c = 2 * i + buf
                drain(c, buf)

                def scale_body(r, acc):
                    for rr in range(4):
                        for s in range(D_MODEL // LANES):
                            sl = (4 * r + rr, pl.ds(s * LANES, LANES))
                            rows[buf][sl] = rows[buf][sl] * SCALE
                    return acc

                lax.fori_loop(0, CHUNK // 4, scale_body, 0)

                pltpu.sync_copy(
                    rows[buf],
                    out_hbm.at[pl.ds(out_base + c * CHUNK, CHUNK)],
                )

                @pl.when(c + 2 < n_chunks)
                def _():
                    fire(c + 2, buf)
            return carry

        lax.fori_loop(0, n_chunks // 2, chunk_body, 0)

    return sc_lookup


def kernel(x, table):
    batch = x.shape[0] * x.shape[1]
    xi = x.reshape(batch).astype(jnp.int32).reshape(batch // IDX_MINOR, IDX_MINOR)
    out = _make_sc_lookup(batch, table.shape[1])(xi, table)
    return out.reshape(x.shape[0], x.shape[1], D_MODEL)

# --- scband reference (transcript-rebuilt; emitter-appended) ---
"""Pipeline reference for scband-embedding-3152505995301 (READ-ONLY COPY).

The authoritative reference and input builder live on the scoring server;
editing this copy changes nothing except your own understanding.
"""

import math
import jax, jax.numpy as jnp
import numpy as np

VOCAB_SIZE = 1000000
D_MODEL = 64


def setup_inputs(seed: int = 0) -> dict:
    key = jax.random.key(seed)
    k_idx, k_tab = jax.random.split(key)
    x = jax.random.randint(k_idx, (16384, 20), 0, VOCAB_SIZE, dtype=jnp.int64 if jax.config.jax_enable_x64 else jnp.int32)
    table = jax.random.normal(k_tab, (VOCAB_SIZE, D_MODEL), dtype=jnp.float32)
    return {"x": x, "table": table}


def reference(x, table):
    # Faithful translation: embedding lookup scaled by sqrt(d_model).
    emb = jnp.take(table, x, axis=0)
    return emb * math.sqrt(D_MODEL)

if __name__ == "__main__":
    import jax
    _d = setup_inputs()
    print(jax.jit(kernel)(*tuple(_d.values())))

</pallas_src>

<mosaic_0001>
#map = affine_map<(d0, d1) -> (0, 0)>
module attributes {stable_mosaic.version = 14 : i64} {
  func.func @sc_lookup(%arg0: i32, %arg1: i32, %arg2: memref<2560x128xi32, #tpu.memory_space<hbm>>, %arg3: memref<1000000x64xf32, #tpu.memory_space<hbm>>, %arg4: memref<327680x64xf32, #tpu.memory_space<hbm>>, %arg5: memref<80x128xi32, #tpu.memory_space<vmem>>, %arg6: memref<512x64xf32, #tpu.memory_space<vmem>>, %arg7: memref<512x64xf32, #tpu.memory_space<vmem>>, %arg8: memref<!tpu.dma_semaphore, #tpu.memory_space<semaphore_mem>>, %arg9: memref<!tpu.dma_semaphore, #tpu.memory_space<semaphore_mem>>) attributes {dimension_semantics = [#tpu.dimension_semantics<core_parallel>, #tpu.dimension_semantics<subcore_parallel>], iteration_bounds = array<i64: 2, 16>, scalar_prefetch = 0 : i64, scratch_operands = 5 : i64, tpu.core_type = #tpu.core_type<sc_vector_subcore>, window_params = [{transform_indices = #map}, {transform_indices = #map}, {transform_indices = #map}]} {
    %mul3A = arith.constant 2 : i32
    %mul3A_0 = arith.muli %arg1, %mul3A : i32
    %add3A = arith.addi %mul3A_0, %arg0 : i32
    %mul3A_1 = arith.constant 80 : i32
    %mul3A_2 = arith.muli %add3A, %mul3A_1 : i32
    %mul3A_3 = arith.constant 10240 : i32
    %mul3A_4 = arith.muli %add3A, %mul3A_3 : i32
    "tpu.region"() ({
      %run_scoped3A = tpu.sem_alloc : memref<!tpu.dma_semaphore, #tpu.memory_space<semaphore_mem>>
      %dma_start3A_89 = arith.constant 0 : i32
      %dma_start3A_90 = tpu.memref_slice %arg2[%mul3A_2, %dma_start3A_89] : memref<2560x128xi32, #tpu.memory_space<hbm>> -> memref<80x128xi32, #tpu.memory_space<hbm>>
      %dma_start3A_91 = arith.constant 0 : i32
      %dma_start3A_92 = tpu.memref_slice %arg2[%mul3A_2, %dma_start3A_91] : memref<2560x128xi32, #tpu.memory_space<hbm>> -> memref<80x128xi32, #tpu.memory_space<hbm>>
      tpu.enqueue_dma source(%dma_start3A_92 : memref<80x128xi32, #tpu.memory_space<hbm>>) target(%arg5 : memref<80x128xi32, #tpu.memory_space<vmem>>) target_semaphore(%run_scoped3A : memref<!tpu.dma_semaphore, #tpu.memory_space<semaphore_mem>>)
      %dma_wait3A = arith.constant 0 : i32
      %dma_wait3A_93 = tpu.memref_slice %arg2[%mul3A_2, %dma_wait3A] : memref<2560x128xi32, #tpu.memory_space<hbm>> -> memref<80x128xi32, #tpu.memory_space<hbm>>
      %dma_wait3A_94 = arith.constant 0 : i32
      %dma_wait3A_95 = tpu.memref_slice %arg2[%mul3A_2, %dma_wait3A_94] : memref<2560x128xi32, #tpu.memory_space<hbm>> -> memref<80x128xi32, #tpu.memory_space<hbm>>
      tpu.wait_dma2 semaphore(%run_scoped3A : memref<!tpu.dma_semaphore, #tpu.memory_space<semaphore_mem>>) src(%dma_wait3A_95 : memref<80x128xi32, #tpu.memory_space<hbm>>) dst(%arg5 : memref<80x128xi32, #tpu.memory_space<vmem>>)
      tpu.yield
    }) : () -> ()
    %dma_start3A = arith.constant 0 : i32
    %dma_start3A_5 = arith.constant 0 : i32
    %dma_start3A_6 = arith.constant 0 : i32
    %dma_start3A_7 = tpu.memref_slice %arg6[%dma_start3A_5, %dma_start3A_6] : memref<512x64xf32, #tpu.memory_space<vmem>> -> memref<128x64xf32, #tpu.memory_space<vmem>>
    %dma_start3A_8 = arith.constant 0 : i32
    %dma_start3A_9 = tpu.memref_slice %arg5[%dma_start3A, %dma_start3A_8] : memref<80x128xi32, #tpu.memory_space<vmem>> -> memref<1x128xi32, #tpu.memory_space<vmem>>
    %dma_start3A_10 = tpu.memref_squeeze %dma_start3A_9 : memref<1x128xi32, #tpu.memory_space<vmem>> -> memref<128xi32, #tpu.memory_space<vmem>>
    %dma_start3A_11 = arith.constant 0 : i32
    %dma_start3A_12 = arith.constant 0 : i32
    %dma_start3A_13 = tpu.memref_slice %arg3[%dma_start3A_11, %dma_start3A_12] : memref<1000000x64xf32, #tpu.memory_space<hbm>> -> memref<1000000x64xf32, #tpu.memory_space<hbm>>
    tpu.enqueue_indirect_dma source(%dma_start3A_13 : memref<1000000x64xf32, #tpu.memory_space<hbm>>) target(%dma_start3A_7 : memref<128x64xf32, #tpu.memory_space<vmem>>) offsets(%dma_start3A_10 : memref<128xi32, #tpu.memory_space<vmem>>) semaphore(%arg8 : memref<!tpu.dma_semaphore, #tpu.memory_space<semaphore_mem>>)
    %dma_start3A_14 = arith.constant 1 : i32
    %dma_start3A_15 = arith.constant 128 : i32
    %dma_start3A_16 = arith.constant 0 : i32
    %dma_start3A_17 = tpu.memref_slice %arg6[%dma_start3A_15, %dma_start3A_16] : memref<512x64xf32, #tpu.memory_space<vmem>> -> memref<128x64xf32, #tpu.memory_space<vmem>>
    %dma_start3A_18 = arith.constant 0 : i32
    %dma_start3A_19 = tpu.memref_slice %arg5[%dma_start3A_14, %dma_start3A_18] : memref<80x128xi32, #tpu.memory_space<vmem>> -> memref<1x128xi32, #tpu.memory_space<vmem>>
    %dma_start3A_20 = tpu.memref_squeeze %dma_start3A_19 : memref<1x128xi32, #tpu.memory_space<vmem>> -> memref<128xi32, #tpu.memory_space<vmem>>
    %dma_start3A_21 = arith.constant 0 : i32
    %dma_start3A_22 = arith.constant 0 : i32
    %dma_start3A_23 = tpu.memref_slice %arg3[%dma_start3A_21, %dma_start3A_22] : memref<1000000x64xf32, #tpu.memory_space<hbm>> -> memref<1000000x64xf32, #tpu.memory_space<hbm>>
    tpu.enqueue_indirect_dma source(%dma_start3A_23 : memref<1000000x64xf32, #tpu.memory_space<hbm>>) target(%dma_start3A_17 : memref<128x64xf32, #tpu.memory_space<vmem>>) offsets(%dma_start3A_20 : memref<128xi32, #tpu.memory_space<vmem>>) semaphore(%arg8 : memref<!tpu.dma_semaphore, #tpu.memory_space<semaphore_mem>>)
    %dma_start3A_24 = arith.constant 2 : i32
    %dma_start3A_25 = arith.constant 256 : i32
    %dma_start3A_26 = arith.constant 0 : i32
    %dma_start3A_27 = tpu.memref_slice %arg6[%dma_start3A_25, %dma_start3A_26] : memref<512x64xf32, #tpu.memory_space<vmem>> -> memref<128x64xf32, #tpu.memory_space<vmem>>
    %dma_start3A_28 = arith.constant 0 : i32
    %dma_start3A_29 = tpu.memref_slice %arg5[%dma_start3A_24, %dma_start3A_28] : memref<80x128xi32, #tpu.memory_space<vmem>> -> memref<1x128xi32, #tpu.memory_space<vmem>>
    %dma_start3A_30 = tpu.memref_squeeze %dma_start3A_29 : memref<1x128xi32, #tpu.memory_space<vmem>> -> memref<128xi32, #tpu.memory_space<vmem>>
    %dma_start3A_31 = arith.constant 0 : i32
    %dma_start3A_32 = arith.constant 0 : i32
    %dma_start3A_33 = tpu.memref_slice %arg3[%dma_start3A_31, %dma_start3A_32] : memref<1000000x64xf32, #tpu.memory_space<hbm>> -> memref<1000000x64xf32, #tpu.memory_space<hbm>>
    tpu.enqueue_indirect_dma source(%dma_start3A_33 : memref<1000000x64xf32, #tpu.memory_space<hbm>>) target(%dma_start3A_27 : memref<128x64xf32, #tpu.memory_space<vmem>>) offsets(%dma_start3A_30 : memref<128xi32, #tpu.memory_space<vmem>>) semaphore(%arg8 : memref<!tpu.dma_semaphore, #tpu.memory_space<semaphore_mem>>)
    %dma_start3A_34 = arith.constant 3 : i32
    %dma_start3A_35 = arith.constant 384 : i32
    %dma_start3A_36 = arith.constant 0 : i32
    %dma_start3A_37 = tpu.memref_slice %arg6[%dma_start3A_35, %dma_start3A_36] : memref<512x64xf32, #tpu.memory_space<vmem>> -> memref<128x64xf32, #tpu.memory_space<vmem>>
    %dma_start3A_38 = arith.constant 0 : i32
    %dma_start3A_39 = tpu.memref_slice %arg5[%dma_start3A_34, %dma_start3A_38] : memref<80x128xi32, #tpu.memory_space<vmem>> -> memref<1x128xi32, #tpu.memory_space<vmem>>
    %dma_start3A_40 = tpu.memref_squeeze %dma_start3A_39 : memref<1x128xi32, #tpu.memory_space<vmem>> -> memref<128xi32, #tpu.memory_space<vmem>>
    %dma_start3A_41 = arith.constant 0 : i32
    %dma_start3A_42 = arith.constant 0 : i32
    %dma_start3A_43 = tpu.memref_slice %arg3[%dma_start3A_41, %dma_start3A_42] : memref<1000000x64xf32, #tpu.memory_space<hbm>> -> memref<1000000x64xf32, #tpu.memory_space<hbm>>
    tpu.enqueue_indirect_dma source(%dma_start3A_43 : memref<1000000x64xf32, #tpu.memory_space<hbm>>) target(%dma_start3A_37 : memref<128x64xf32, #tpu.memory_space<vmem>>) offsets(%dma_start3A_40 : memref<128xi32, #tpu.memory_space<vmem>>) semaphore(%arg8 : memref<!tpu.dma_semaphore, #tpu.memory_space<semaphore_mem>>)
    %dma_start3A_44 = arith.constant 4 : i32
    %dma_start3A_45 = arith.constant 0 : i32
    %dma_start3A_46 = arith.constant 0 : i32
    %dma_start3A_47 = tpu.memref_slice %arg7[%dma_start3A_45, %dma_start3A_46] : memref<512x64xf32, #tpu.memory_space<vmem>> -> memref<128x64xf32, #tpu.memory_space<vmem>>
    %dma_start3A_48 = arith.constant 0 : i32
    %dma_start3A_49 = tpu.memref_slice %arg5[%dma_start3A_44, %dma_start3A_48] : memref<80x128xi32, #tpu.memory_space<vmem>> -> memref<1x128xi32, #tpu.memory_space<vmem>>
    %dma_start3A_50 = tpu.memref_squeeze %dma_start3A_49 : memref<1x128xi32, #tpu.memory_space<vmem>> -> memref<128xi32, #tpu.memory_space<vmem>>
    %dma_start3A_51 = arith.constant 0 : i32
    %dma_start3A_52 = arith.constant 0 : i32
    %dma_start3A_53 = tpu.memref_slice %arg3[%dma_start3A_51, %dma_start3A_52] : memref<1000000x64xf32, #tpu.memory_space<hbm>> -> memref<1000000x64xf32, #tpu.memory_space<hbm>>
    tpu.enqueue_indirect_dma source(%dma_start3A_53 : memref<1000000x64xf32, #tpu.memory_space<hbm>>) target(%dma_start3A_47 : memref<128x64xf32, #tpu.memory_space<vmem>>) offsets(%dma_start3A_50 : memref<128xi32, #tpu.memory_space<vmem>>) semaphore(%arg9 : memref<!tpu.dma_semaphore, #tpu.memory_space<semaphore_mem>>)
    %dma_start3A_54 = arith.constant 5 : i32
    %dma_start3A_55 = arith.constant 128 : i32
    %dma_start3A_56 = arith.constant 0 : i32
    %dma_start3A_57 = tpu.memref_slice %arg7[%dma_start3A_55, %dma_start3A_56] : memref<512x64xf32, #tpu.memory_space<vmem>> -> memref<128x64xf32, #tpu.memory_space<vmem>>
    %dma_start3A_58 = arith.constant 0 : i32
    %dma_start3A_59 = tpu.memref_slice %arg5[%dma_start3A_54, %dma_start3A_58] : memref<80x128xi32, #tpu.memory_space<vmem>> -> memref<1x128xi32, #tpu.memory_space<vmem>>
    %dma_start3A_60 = tpu.memref_squeeze %dma_start3A_59 : memref<1x128xi32, #tpu.memory_space<vmem>> -> memref<128xi32, #tpu.memory_space<vmem>>
    %dma_start3A_61 = arith.constant 0 : i32
    %dma_start3A_62 = arith.constant 0 : i32
    %dma_start3A_63 = tpu.memref_slice %arg3[%dma_start3A_61, %dma_start3A_62] : memref<1000000x64xf32, #tpu.memory_space<hbm>> -> memref<1000000x64xf32, #tpu.memory_space<hbm>>
    tpu.enqueue_indirect_dma source(%dma_start3A_63 : memref<1000000x64xf32, #tpu.memory_space<hbm>>) target(%dma_start3A_57 : memref<128x64xf32, #tpu.memory_space<vmem>>) offsets(%dma_start3A_60 : memref<128xi32, #tpu.memory_space<vmem>>) semaphore(%arg9 : memref<!tpu.dma_semaphore, #tpu.memory_space<semaphore_mem>>)
    %dma_start3A_64 = arith.constant 6 : i32
    %dma_start3A_65 = arith.constant 256 : i32
    %dma_start3A_66 = arith.constant 0 : i32
    %dma_start3A_67 = tpu.memref_slice %arg7[%dma_start3A_65, %dma_start3A_66] : memref<512x64xf32, #tpu.memory_space<vmem>> -> memref<128x64xf32, #tpu.memory_space<vmem>>
    %dma_start3A_68 = arith.constant 0 : i32
    %dma_start3A_69 = tpu.memref_slice %arg5[%dma_start3A_64, %dma_start3A_68] : memref<80x128xi32, #tpu.memory_space<vmem>> -> memref<1x128xi32, #tpu.memory_space<vmem>>
    %dma_start3A_70 = tpu.memref_squeeze %dma_start3A_69 : memref<1x128xi32, #tpu.memory_space<vmem>> -> memref<128xi32, #tpu.memory_space<vmem>>
    %dma_start3A_71 = arith.constant 0 : i32
    %dma_start3A_72 = arith.constant 0 : i32
    %dma_start3A_73 = tpu.memref_slice %arg3[%dma_start3A_71, %dma_start3A_72] : memref<1000000x64xf32, #tpu.memory_space<hbm>> -> memref<1000000x64xf32, #tpu.memory_space<hbm>>
    tpu.enqueue_indirect_dma source(%dma_start3A_73 : memref<1000000x64xf32, #tpu.memory_space<hbm>>) target(%dma_start3A_67 : memref<128x64xf32, #tpu.memory_space<vmem>>) offsets(%dma_start3A_70 : memref<128xi32, #tpu.memory_space<vmem>>) semaphore(%arg9 : memref<!tpu.dma_semaphore, #tpu.memory_space<semaphore_mem>>)
    %dma_start3A_74 = arith.constant 7 : i32
    %dma_start3A_75 = arith.constant 384 : i32
    %dma_start3A_76 = arith.constant 0 : i32
    %dma_start3A_77 = tpu.memref_slice %arg7[%dma_start3A_75, %dma_start3A_76] : memref<512x64xf32, #tpu.memory_space<vmem>> -> memref<128x64xf32, #tpu.memory_space<vmem>>
    %dma_start3A_78 = arith.constant 0 : i32
    %dma_start3A_79 = tpu.memref_slice %arg5[%dma_start3A_74, %dma_start3A_78] : memref<80x128xi32, #tpu.memory_space<vmem>> -> memref<1x128xi32, #tpu.memory_space<vmem>>
    %dma_start3A_80 = tpu.memref_squeeze %dma_start3A_79 : memref<1x128xi32, #tpu.memory_space<vmem>> -> memref<128xi32, #tpu.memory_space<vmem>>
    %dma_start3A_81 = arith.constant 0 : i32
    %dma_start3A_82 = arith.constant 0 : i32
    %dma_start3A_83 = tpu.memref_slice %arg3[%dma_start3A_81, %dma_start3A_82] : memref<1000000x64xf32, #tpu.memory_space<hbm>> -> memref<1000000x64xf32, #tpu.memory_space<hbm>>
    tpu.enqueue_indirect_dma source(%dma_start3A_83 : memref<1000000x64xf32, #tpu.memory_space<hbm>>) target(%dma_start3A_77 : memref<128x64xf32, #tpu.memory_space<vmem>>) offsets(%dma_start3A_80 : memref<128xi32, #tpu.memory_space<vmem>>) semaphore(%arg9 : memref<!tpu.dma_semaphore, #tpu.memory_space<semaphore_mem>>)
    %scan3A = arith.constant 0 : i32
    %scan3A_84 = arith.constant 0 : i32
    %scan3A_85 = arith.constant 10 : i32
    %scan3A_86 = arith.addi %scan3A_84, %scan3A_85 : i32
    %scan3A_87 = arith.constant 1 : i32
    scf.for %scan3A_89 = %scan3A_84 to %scan3A_86 step %scan3A_87  : i32 {
      %mul3A_90 = arith.constant 2 : i32
      %mul3A_91 = arith.muli %mul3A_90, %scan3A_89 : i32
      %add3A_92 = arith.constant 0 : i32
      %add3A_93 = arith.addi %mul3A_91, %add3A_92 : i32
      %mul3A_94 = arith.constant 4 : i32
      %mul3A_95 = arith.muli %add3A_93, %mul3A_94 : i32
      %add3A_96 = arith.constant 0 : i32
      %add3A_97 = arith.addi %mul3A_95, %add3A_96 : i32
      %dma_wait3A = arith.constant 0 : i32
      %dma_wait3A_98 = arith.constant 0 : i32
      %dma_wait3A_99 = tpu.memref_slice %arg6[%dma_wait3A, %dma_wait3A_98] : memref<512x64xf32, #tpu.memory_space<vmem>> -> memref<128x64xf32, #tpu.memory_space<vmem>>
      %dma_wait3A_100 = arith.constant 0 : i32
      %dma_wait3A_101 = tpu.memref_slice %arg5[%add3A_97, %dma_wait3A_100] : memref<80x128xi32, #tpu.memory_space<vmem>> -> memref<1x128xi32, #tpu.memory_space<vmem>>
      %dma_wait3A_102 = tpu.memref_squeeze %dma_wait3A_101 : memref<1x128xi32, #tpu.memory_space<vmem>> -> memref<128xi32, #tpu.memory_space<vmem>>
      %dma_wait3A_103 = arith.constant 0 : i32
      %dma_wait3A_104 = arith.constant 0 : i32
      %dma_wait3A_105 = tpu.memref_slice %arg3[%dma_wait3A_103, %dma_wait3A_104] : memref<1000000x64xf32, #tpu.memory_space<hbm>> -> memref<1000000x64xf32, #tpu.memory_space<hbm>>
      tpu.wait_indirect_dma semaphore(%arg8 : memref<!tpu.dma_semaphore, #tpu.memory_space<semaphore_mem>>) src(%dma_wait3A_105 : memref<1000000x64xf32, #tpu.memory_space<hbm>>) dst(%dma_wait3A_99 : memref<128x64xf32, #tpu.memory_space<vmem>>)
      %mul3A_106 = arith.constant 4 : i32
      %mul3A_107 = arith.muli %add3A_93, %mul3A_106 : i32
      %add3A_108 = arith.constant 1 : i32
      %add3A_109 = arith.addi %mul3A_107, %add3A_108 : i32
      %dma_wait3A_110 = arith.constant 128 : i32
      %dma_wait3A_111 = arith.constant 0 : i32
      %dma_wait3A_112 = tpu.memref_slice %arg6[%dma_wait3A_110, %dma_wait3A_111] : memref<512x64xf32, #tpu.memory_space<vmem>> -> memref<128x64xf32, #tpu.memory_space<vmem>>
      %dma_wait3A_113 = arith.constant 0 : i32
      %dma_wait3A_114 = tpu.memref_slice %arg5[%add3A_109, %dma_wait3A_113] : memref<80x128xi32, #tpu.memory_space<vmem>> -> memref<1x128xi32, #tpu.memory_space<vmem>>
      %dma_wait3A_115 = tpu.memref_squeeze %dma_wait3A_114 : memref<1x128xi32, #tpu.memory_space<vmem>> -> memref<128xi32, #tpu.memory_space<vmem>>
      %dma_wait3A_116 = arith.constant 0 : i32
      %dma_wait3A_117 = arith.constant 0 : i32
      %dma_wait3A_118 = tpu.memref_slice %arg3[%dma_wait3A_116, %dma_wait3A_117] : memref<1000000x64xf32, #tpu.memory_space<hbm>> -> memref<1000000x64xf32, #tpu.memory_space<hbm>>
      tpu.wait_indirect_dma semaphore(%arg8 : memref<!tpu.dma_semaphore, #tpu.memory_space<semaphore_mem>>) src(%dma_wait3A_118 : memref<1000000x64xf32, #tpu.memory_space<hbm>>) dst(%dma_wait3A_112 : memref<128x64xf32, #tpu.memory_space<vmem>>)
      %mul3A_119 = arith.constant 4 : i32
      %mul3A_120 = arith.muli %add3A_93, %mul3A_119 : i32
      %add3A_121 = arith.constant 2 : i32
      %add3A_122 = arith.addi %mul3A_120, %add3A_121 : i32
      %dma_wait3A_123 = arith.constant 256 : i32
      %dma_wait3A_124 = arith.constant 0 : i32
      %dma_wait3A_125 = tpu.memref_slice %arg6[%dma_wait3A_123, %dma_wait3A_124] : memref<512x64xf32, #tpu.memory_space<vmem>> -> memref<128x64xf32, #tpu.memory_space<vmem>>
      %dma_wait3A_126 = arith.constant 0 : i32
      %dma_wait3A_127 = tpu.memref_slice %arg5[%add3A_122, %dma_wait3A_126] : memref<80x128xi32, #tpu.memory_space<vmem>> -> memref<1x128xi32, #tpu.memory_space<vmem>>
      %dma_wait3A_128 = tpu.memref_squeeze %dma_wait3A_127 : memref<1x128xi32, #tpu.memory_space<vmem>> -> memref<128xi32, #tpu.memory_space<vmem>>
      %dma_wait3A_129 = arith.constant 0 : i32
      %dma_wait3A_130 = arith.constant 0 : i32
      %dma_wait3A_131 = tpu.memref_slice %arg3[%dma_wait3A_129, %dma_wait3A_130] : memref<1000000x64xf32, #tpu.memory_space<hbm>> -> memref<1000000x64xf32, #tpu.memory_space<hbm>>
      tpu.wait_indirect_dma semaphore(%arg8 : memref<!tpu.dma_semaphore, #tpu.memory_space<semaphore_mem>>) src(%dma_wait3A_131 : memref<1000000x64xf32, #tpu.memory_space<hbm>>) dst(%dma_wait3A_125 : memref<128x64xf32, #tpu.memory_space<vmem>>)
      %mul3A_132 = arith.constant 4 : i32
      %mul3A_133 = arith.muli %add3A_93, %mul3A_132 : i32
      %add3A_134 = arith.constant 3 : i32
      %add3A_135 = arith.addi %mul3A_133, %add3A_134 : i32
      %dma_wait3A_136 = arith.constant 384 : i32
      %dma_wait3A_137 = arith.constant 0 : i32
      %dma_wait3A_138 = tpu.memref_slice %arg6[%dma_wait3A_136, %dma_wait3A_137] : memref<512x64xf32, #tpu.memory_space<vmem>> -> memref<128x64xf32, #tpu.memory_space<vmem>>
      %dma_wait3A_139 = arith.constant 0 : i32
      %dma_wait3A_140 = tpu.memref_slice %arg5[%add3A_135, %dma_wait3A_139] : memref<80x128xi32, #tpu.memory_space<vmem>> -> memref<1x128xi32, #tpu.memory_space<vmem>>
      %dma_wait3A_141 = tpu.memref_squeeze %dma_wait3A_140 : memref<1x128xi32, #tpu.memory_space<vmem>> -> memref<128xi32, #tpu.memory_space<vmem>>
      %dma_wait3A_142 = arith.constant 0 : i32
      %dma_wait3A_143 = arith.constant 0 : i32
      %dma_wait3A_144 = tpu.memref_slice %arg3[%dma_wait3A_142, %dma_wait3A_143] : memref<1000000x64xf32, #tpu.memory_space<hbm>> -> memref<1000000x64xf32, #tpu.memory_space<hbm>>
      tpu.wait_indirect_dma semaphore(%arg8 : memref<!tpu.dma_semaphore, #tpu.memory_space<semaphore_mem>>) src(%dma_wait3A_144 : memref<1000000x64xf32, #tpu.memory_space<hbm>>) dst(%dma_wait3A_138 : memref<128x64xf32, #tpu.memory_space<vmem>>)
      %scan3A_145 = arith.constant 0 : i32
      %scan3A_146 = arith.constant 0 : i32
      %scan3A_147 = arith.constant 128 : i32
      %scan3A_148 = arith.addi %scan3A_146, %scan3A_147 : i32
      %scan3A_149 = arith.constant 1 : i32
      scf.for %scan3A_230 = %scan3A_146 to %scan3A_148 step %scan3A_149  : i32 {
        %mul3A_231 = arith.constant 4 : i32
        %mul3A_232 = arith.muli %mul3A_231, %scan3A_230 : i32
        %add3A_233 = arith.constant 0 : i32
        %add3A_234 = arith.addi %mul3A_232, %add3A_233 : i32
        %get3A = arith.index_cast %add3A_234 : i32 to index
        %get3A_235 = arith.constant 0 : index
        %get3A_236 = tpu.vector_load %arg6[%get3A, %get3A_235] {strides = array<i32>} : memref<512x64xf32, #tpu.memory_space<vmem>>, vector<1x16xf32>,
        %get3A_237 = vector.shape_cast %get3A_236 : vector<1x16xf32> to vector<16xf32>
        %mul3A_238 = arith.constant 8.000000e+00 : f32
        %mul3A_239 = vector.broadcast %mul3A_238 : f32 to vector<16xf32>
        %mul3A_240 = arith.mulf %get3A_237, %mul3A_239 : vector<16xf32>
        %swap3A = arith.index_cast %add3A_234 : i32 to index
        %swap3A_241 = arith.constant 0 : index
        %swap3A_242 = tpu.vector_load %arg6[%swap3A, %swap3A_241] {strides = array<i32>} : memref<512x64xf32, #tpu.memory_space<vmem>>, vector<1x16xf32>,
        %swap3A_243 = vector.shape_cast %swap3A_242 : vector<1x16xf32> to vector<16xf32>
        %swap3A_244 = vector.shape_cast %mul3A_240 : vector<16xf32> to vector<1x16xf32>
        tpu.vector_store %arg6[%swap3A, %swap3A_241], %swap3A_244 {strides = array<i32>} : memref<512x64xf32, #tpu.memory_space<vmem>>, vector<1x16xf32>,
        %mul3A_245 = arith.constant 4 : i32
        %mul3A_246 = arith.muli %mul3A_245, %scan3A_230 : i32
        %add3A_247 = arith.constant 0 : i32
        %add3A_248 = arith.addi %mul3A_246, %add3A_247 : i32
        %get3A_249 = arith.index_cast %add3A_248 : i32 to index
        %get3A_250 = arith.constant 16 : index
        %get3A_251 = tpu.vector_load %arg6[%get3A_249, %get3A_250] {strides = array<i32>} : memref<512x64xf32, #tpu.memory_space<vmem>>, vector<1x16xf32>,
        %get3A_252 = vector.shape_cast %get3A_251 : vector<1x16xf32> to vector<16xf32>
        %mul3A_253 = arith.constant 8.000000e+00 : f32
        %mul3A_254 = vector.broadcast %mul3A_253 : f32 to vector<16xf32>
        %mul3A_255 = arith.mulf %get3A_252, %mul3A_254 : vector<16xf32>
        %swap3A_256 = arith.index_cast %add3A_248 : i32 to index
        %swap3A_257 = arith.constant 16 : index
        %swap3A_258 = tpu.vector_load %arg6[%swap3A_256, %swap3A_257] {strides = array<i32>} : memref<512x64xf32, #tpu.memory_space<vmem>>, vector<1x16xf32>,
        %swap3A_259 = vector.shape_cast %swap3A_258 : vector<1x16xf32> to vector<16xf32>
        %swap3A_260 = vector.shape_cast %mul3A_255 : vector<16xf32> to vector<1x16xf32>
        tpu.vector_store %arg6[%swap3A_256, %swap3A_257], %swap3A_260 {strides = array<i32>} : memref<512x64xf32, #tpu.memory_space<vmem>>, vector<1x16xf32>,
        %mul3A_261 = arith.constant 4 : i32
        %mul3A_262 = arith.muli %mul3A_261, %scan3A_230 : i32
        %add3A_263 = arith.constant 0 : i32
        %add3A_264 = arith.addi %mul3A_262, %add3A_263 : i32
        %get3A_265 = arith.index_cast %add3A_264 : i32 to index
        %get3A_266 = arith.constant 32 : index
        %get3A_267 = tpu.vector_load %arg6[%get3A_265, %get3A_266] {strides = array<i32>} : memref<512x64xf32, #tpu.memory_space<vmem>>, vector<1x16xf32>,
        %get3A_268 = vector.shape_cast %get3A_267 : vector<1x16xf32> to vector<16xf32>
        %mul3A_269 = arith.constant 8.000000e+00 : f32
        %mul3A_270 = vector.broadcast %mul3A_269 : f32 to vector<16xf32>
        %mul3A_271 = arith.mulf %get3A_268, %mul3A_270 : vector<16xf32>
        %swap3A_272 = arith.index_cast %add3A_264 : i32 to index
        %swap3A_273 = arith.constant 32 : index
        %swap3A_274 = tpu.vector_load %arg6[%swap3A_272, %swap3A_273] {strides = array<i32>} : memref<512x64xf32, #tpu.memory_space<vmem>>, vector<1x16xf32>,
        %swap3A_275 = vector.shape_cast %swap3A_274 : vector<1x16xf32> to vector<16xf32>
        %swap3A_276 = vector.shape_cast %mul3A_271 : vector<16xf32> to vector<1x16xf32>
        tpu.vector_store %arg6[%swap3A_272, %swap3A_273], %swap3A_276 {strides = array<i32>} : memref<512x64xf32, #tpu.memory_space<vmem>>, vector<1x16xf32>,
        %mul3A_277 = arith.constant 4 : i32
        %mul3A_278 = arith.muli %mul3A_277, %scan3A_230 : i32
        %add3A_279 = arith.constant 0 : i32
        %add3A_280 = arith.addi %mul3A_278, %add3A_279 : i32
        %get3A_281 = arith.index_cast %add3A_280 : i32 to index
        %get3A_282 = arith.constant 48 : index
        %get3A_283 = tpu.vector_load %arg6[%get3A_281, %get3A_282] {strides = array<i32>} : memref<512x64xf32, #tpu.memory_space<vmem>>, vector<1x16xf32>,
        %get3A_284 = vector.shape_cast %get3A_283 : vector<1x16xf32> to vector<16xf32>
        %mul3A_285 = arith.constant 8.000000e+00 : f32
        %mul3A_286 = vector.broadcast %mul3A_285 : f32 to vector<16xf32>
        %mul3A_287 = arith.mulf %get3A_284, %mul3A_286 : vector<16xf32>
        %swap3A_288 = arith.index_cast %add3A_280 : i32 to index
        %swap3A_289 = arith.constant 48 : index
        %swap3A_290 = tpu.vector_load %arg6[%swap3A_288, %swap3A_289] {strides = array<i32>} : memref<512x64xf32, #tpu.memory_space<vmem>>, vector<1x16xf32>,
        %swap3A_291 = vector.shape_cast %swap3A_290 : vector<1x16xf32> to vector<16xf32>
        %swap3A_292 = vector.shape_cast %mul3A_287 : vector<16xf32> to vector<1x16xf32>
        tpu.vector_store %arg6[%swap3A_288, %swap3A_289], %swap3A_292 {strides = array<i32>} : memref<512x64xf32, #tpu.memory_space<vmem>>, vector<1x16xf32>,
        %mul3A_293 = arith.constant 4 : i32
        %mul3A_294 = arith.muli %mul3A_293, %scan3A_230 : i32
        %add3A_295 = arith.constant 1 : i32
        %add3A_296 = arith.addi %mul3A_294, %add3A_295 : i32
        %get3A_297 = arith.index_cast %add3A_296 : i32 to index
        %get3A_298 = arith.constant 0 : index
        %get3A_299 = tpu.vector_load %arg6[%get3A_297, %get3A_298] {strides = array<i32>} : memref<512x64xf32, #tpu.memory_space<vmem>>, vector<1x16xf32>,
        %get3A_300 = vector.shape_cast %get3A_299 : vector<1x16xf32> to vector<16xf32>
        %mul3A_301 = arith.constant 8.000000e+00 : f32
        %mul3A_302 = vector.broadcast %mul3A_301 : f32 to vector<16xf32>
        %mul3A_303 = arith.mulf %get3A_300, %mul3A_302 : vector<16xf32>
        %swap3A_304 = arith.index_cast %add3A_296 : i32 to index
        %swap3A_305 = arith.constant 0 : index
        %swap3A_306 = tpu.vector_load %arg6[%swap3A_304, %swap3A_305] {strides = array<i32>} : memref<512x64xf32, #tpu.memory_space<vmem>>, vector<1x16xf32>,
        %swap3A_307 = vector.shape_cast %swap3A_306 : vector<1x16xf32> to vector<16xf32>
        %swap3A_308 = vector.shape_cast %mul3A_303 : vector<16xf32> to vector<1x16xf32>
        tpu.vector_store %arg6[%swap3A_304, %swap3A_305], %swap3A_308 {strides = array<i32>} : memref<512x64xf32, #tpu.memory_space<vmem>>, vector<1x16xf32>,
        %mul3A_309 = arith.constant 4 : i32
        %mul3A_310 = arith.muli %mul3A_309, %scan3A_230 : i32
        %add3A_311 = arith.constant 1 : i32
        %add3A_312 = arith.addi %mul3A_310, %add3A_311 : i32
        %get3A_313 = arith.index_cast %add3A_312 : i32 to index
        %get3A_314 = arith.constant 16 : index
        %get3A_315 = tpu.vector_load %arg6[%get3A_313, %get3A_314] {strides = array<i32>} : memref<512x64xf32, #tpu.memory_space<vmem>>, vector<1x16xf32>,
        %get3A_316 = vector.shape_cast %get3A_315 : vector<1x16xf32> to vector<16xf32>
        %mul3A_317 = arith.constant 8.000000e+00 : f32
        %mul3A_318 = vector.broadcast %mul3A_317 : f32 to vector<16xf32>
        %mul3A_319 = arith.mulf %get3A_316, %mul3A_318 : vector<16xf32>
        %swap3A_320 = arith.index_cast %add3A_312 : i32 to index
        %swap3A_321 = arith.constant 16 : index
        %swap3A_322 = tpu.vector_load %arg6[%swap3A_320, %swap3A_321] {strides = array<i32>} : memref<512x64xf32, #tpu.memory_space<vmem>>, vector<1x16xf32>,
        %swap3A_323 = vector.shape_cast %swap3A_322 : vector<1x16xf32> to vector<16xf32>
        %swap3A_324 = vector.shape_cast %mul3A_319 : vector<16xf32> to vector<1x16xf32>
        tpu.vector_store %arg6[%swap3A_320, %swap3A_321], %swap3A_324 {strides = array<i32>} : memref<512x64xf32, #tpu.memory_space<vmem>>, vector<1x16xf32>,
        %mul3A_325 = arith.constant 4 : i32
        %mul3A_326 = arith.muli %mul3A_325, %scan3A_230 : i32
        %add3A_327 = arith.constant 1 : i32
        %add3A_328 = arith.addi %mul3A_326, %add3A_327 : i32
        %get3A_329 = arith.index_cast %add3A_328 : i32 to index
        %get3A_330 = arith.constant 32 : index
        %get3A_331 = tpu.vector_load %arg6[%get3A_329, %get3A_330] {strides = array<i32>} : memref<512x64xf32, #tpu.memory_space<vmem>>, vector<1x16xf32>,
        %get3A_332 = vector.shape_cast %get3A_331 : vector<1x16xf32> to vector<16xf32>
        %mul3A_333 = arith.constant 8.000000e+00 : f32
        %mul3A_334 = vector.broadcast %mul3A_333 : f32 to vector<16xf32>
        %mul3A_335 = arith.mulf %get3A_332, %mul3A_334 : vector<16xf32>
        %swap3A_336 = arith.index_cast %add3A_328 : i32 to index
        %swap3A_337 = arith.constant 32 : index
        %swap3A_338 = tpu.vector_load %arg6[%swap3A_336, %swap3A_337] {strides = array<i32>} : memref<512x64xf32, #tpu.memory_space<vmem>>, vector<1x16xf32>,
        %swap3A_339 = vector.shape_cast %swap3A_338 : vector<1x16xf32> to vector<16xf32>
        %swap3A_340 = vector.shape_cast %mul3A_335 : vector<16xf32> to vector<1x16xf32>
        tpu.vector_store %arg6[%swap3A_336, %swap3A_337], %swap3A_340 {strides = array<i32>} : memref<512x64xf32, #tpu.memory_space<vmem>>, vector<1x16xf32>,
        %mul3A_341 = arith.constant 4 : i32
        %mul3A_342 = arith.muli %mul3A_341, %scan3A_230 : i32
        %add3A_343 = arith.constant 1 : i32
        %add3A_344 = arith.addi %mul3A_342, %add3A_343 : i32
        %get3A_345 = arith.index_cast %add3A_344 : i32 to index
        %get3A_346 = arith.constant 48 : index
        %get3A_347 = tpu.vector_load %arg6[%get3A_345, %get3A_346] {strides = array<i32>} : memref<512x64xf32, #tpu.memory_space<vmem>>, vector<1x16xf32>,
        %get3A_348 = vector.shape_cast %get3A_347 : vector<1x16xf32> to vector<16xf32>
        %mul3A_349 = arith.constant 8.000000e+00 : f32
        %mul3A_350 = vector.broadcast %mul3A_349 : f32 to vector<16xf32>
        %mul3A_351 = arith.mulf %get3A_348, %mul3A_350 : vector<16xf32>
        %swap3A_352 = arith.index_cast %add3A_344 : i32 to index
        %swap3A_353 = arith.constant 48 : index
        %swap3A_354 = tpu.vector_load %arg6[%swap3A_352, %swap3A_353] {strides = array<i32>} : memref<512x64xf32, #tpu.memory_space<vmem>>, vector<1x16xf32>,
        %swap3A_355 = vector.shape_cast %swap3A_354 : vector<1x16xf32> to vector<16xf32>
        %swap3A_356 = vector.shape_cast %mul3A_351 : vector<16xf32> to vector<1x16xf32>
        tpu.vector_store %arg6[%swap3A_352, %swap3A_353], %swap3A_356 {strides = array<i32>} : memref<512x64xf32, #tpu.memory_space<vmem>>, vector<1x16xf32>,
        %mul3A_357 = arith.constant 4 : i32
        %mul3A_358 = arith.muli %mul3A_357, %scan3A_230 : i32
        %add3A_359 = arith.constant 2 : i32
        %add3A_360 = arith.addi %mul3A_358, %add3A_359 : i32
        %get3A_361 = arith.index_cast %add3A_360 : i32 to index
        %get3A_362 = arith.constant 0 : index
        %get3A_363 = tpu.vector_load %arg6[%get3A_361, %get3A_362] {strides = array<i32>} : memref<512x64xf32, #tpu.memory_space<vmem>>, vector<1x16xf32>,
        %get3A_364 = vector.shape_cast %get3A_363 : vector<1x16xf32> to vector<16xf32>
        %mul3A_365 = arith.constant 8.000000e+00 : f32
        %mul3A_366 = vector.broadcast %mul3A_365 : f32 to vector<16xf32>
        %mul3A_367 = arith.mulf %get3A_364, %mul3A_366 : vector<16xf32>
        %swap3A_368 = arith.index_cast %add3A_360 : i32 to index
        %swap3A_369 = arith.constant 0 : index
        %swap3A_370 = tpu.vector_load %arg6[%swap3A_368, %swap3A_369] {strides = array<i32>} : memref<512x64xf32, #tpu.memory_space<vmem>>, vector<1x16xf32>,
        %swap3A_371 = vector.shape_cast %swap3A_370 : vector<1x16xf32> to vector<16xf32>
        %swap3A_372 = vector.shape_cast %mul3A_367 : vector<16xf32> to vector<1x16xf32>
        tpu.vector_store %arg6[%swap3A_368, %swap3A_369], %swap3A_372 {strides = array<i32>} : memref<512x64xf32, #tpu.memory_space<vmem>>, vector<1x16xf32>,
        %mul3A_373 = arith.constant 4 : i32
        %mul3A_374 = arith.muli %mul3A_373, %scan3A_230 : i32
        %add3A_375 = arith.constant 2 : i32
        %add3A_376 = arith.addi %mul3A_374, %add3A_375 : i32
        %get3A_377 = arith.index_cast %add3A_376 : i32 to index
        %get3A_378 = arith.constant 16 : index
        %get3A_379 = tpu.vector_load %arg6[%get3A_377, %get3A_378] {strides = array<i32>} : memref<512x64xf32, #tpu.memory_space<vmem>>, vector<1x16xf32>,
        %get3A_380 = vector.shape_cast %get3A_379 : vector<1x16xf32> to vector<16xf32>
        %mul3A_381 = arith.constant 8.000000e+00 : f32
        %mul3A_382 = vector.broadcast %mul3A_381 : f32 to vector<16xf32>
        %mul3A_383 = arith.mulf %get3A_380, %mul3A_382 : vector<16xf32>
        %swap3A_384 = arith.index_cast %add3A_376 : i32 to index
        %swap3A_385 = arith.constant 16 : index
        %swap3A_386 = tpu.vector_load %arg6[%swap3A_384, %swap3A_385] {strides = array<i32>} : memref<512x64xf32, #tpu.memory_space<vmem>>, vector<1x16xf32>,
        %swap3A_387 = vector.shape_cast %swap3A_386 : vector<1x16xf32> to vector<16xf32>
        %swap3A_388 = vector.shape_cast %mul3A_383 : vector<16xf32> to vector<1x16xf32>
        tpu.vector_store %arg6[%swap3A_384, %swap3A_385], %swap3A_388 {strides = array<i32>} : memref<512x64xf32, #tpu.memory_space<vmem>>, vector<1x16xf32>,
        %mul3A_389 = arith.constant 4 : i32
        %mul3A_390 = arith.muli %mul3A_389, %scan3A_230 : i32
        %add3A_391 = arith.constant 2 : i32
        %add3A_392 = arith.addi %mul3A_390, %add3A_391 : i32
        %get3A_393 = arith.index_cast %add3A_392 : i32 to index
        %get3A_394 = arith.constant 32 : index
        %get3A_395 = tpu.vector_load %arg6[%get3A_393, %get3A_394] {strides = array<i32>} : memref<512x64xf32, #tpu.memory_space<vmem>>, vector<1x16xf32>,
        %get3A_396 = vector.shape_cast %get3A_395 : vector<1x16xf32> to vector<16xf32>
        %mul3A_397 = arith.constant 8.000000e+00 : f32
        %mul3A_398 = vector.broadcast %mul3A_397 : f32 to vector<16xf32>
        %mul3A_399 = arith.mulf %get3A_396, %mul3A_398 : vector<16xf32>
        %swap3A_400 = arith.index_cast %add3A_392 : i32 to index
        %swap3A_401 = arith.constant 32 : index
        %swap3A_402 = tpu.vector_load %arg6[%swap3A_400, %swap3A_401] {strides = array<i32>} : memref<512x64xf32, #tpu.memory_space<vmem>>, vector<1x16xf32>,
        %swap3A_403 = vector.shape_cast %swap3A_402 : vector<1x16xf32> to vector<16xf32>
        %swap3A_404 = vector.shape_cast %mul3A_399 : vector<16xf32> to vector<1x16xf32>
        tpu.vector_store %arg6[%swap3A_400, %swap3A_401], %swap3A_404 {strides = array<i32>} : memref<512x64xf32, #tpu.memory_space<vmem>>, vector<1x16xf32>,
        %mul3A_405 = arith.constant 4 : i32
        %mul3A_406 = arith.muli %mul3A_405, %scan3A_230 : i32
        %add3A_407 = arith.constant 2 : i32
        %add3A_408 = arith.addi %mul3A_406, %add3A_407 : i32
        %get3A_409 = arith.index_cast %add3A_408 : i32 to index
        %get3A_410 = arith.constant 48 : index
        %get3A_411 = tpu.vector_load %arg6[%get3A_409, %get3A_410] {strides = array<i32>} : memref<512x64xf32, #tpu.memory_space<vmem>>, vector<1x16xf32>,
        %get3A_412 = vector.shape_cast %get3A_411 : vector<1x16xf32> to vector<16xf32>
        %mul3A_413 = arith.constant 8.000000e+00 : f32
        %mul3A_414 = vector.broadcast %mul3A_413 : f32 to vector<16xf32>
        %mul3A_415 = arith.mulf %get3A_412, %mul3A_414 : vector<16xf32>
        %swap3A_416 = arith.index_cast %add3A_408 : i32 to index
        %swap3A_417 = arith.constant 48 : index
        %swap3A_418 = tpu.vector_load %arg6[%swap3A_416, %swap3A_417] {strides = array<i32>} : memref<512x64xf32, #tpu.memory_space<vmem>>, vector<1x16xf32>,
        %swap3A_419 = vector.shape_cast %swap3A_418 : vector<1x16xf32> to vector<16xf32>
        %swap3A_420 = vector.shape_cast %mul3A_415 : vector<16xf32> to vector<1x16xf32>
        tpu.vector_store %arg6[%swap3A_416, %swap3A_417], %swap3A_420 {strides = array<i32>} : memref<512x64xf32, #tpu.memory_space<vmem>>, vector<1x16xf32>,
        %mul3A_421 = arith.constant 4 : i32
        %mul3A_422 = arith.muli %mul3A_421, %scan3A_230 : i32
        %add3A_423 = arith.constant 3 : i32
        %add3A_424 = arith.addi %mul3A_422, %add3A_423 : i32
        %get3A_425 = arith.index_cast %add3A_424 : i32 to index
        %get3A_426 = arith.constant 0 : index
        %get3A_427 = tpu.vector_load %arg6[%get3A_425, %get3A_426] {strides = array<i32>} : memref<512x64xf32, #tpu.memory_space<vmem>>, vector<1x16xf32>,
        %get3A_428 = vector.shape_cast %get3A_427 : vector<1x16xf32> to vector<16xf32>
        %mul3A_429 = arith.constant 8.000000e+00 : f32
        %mul3A_430 = vector.broadcast %mul3A_429 : f32 to vector<16xf32>
        %mul3A_431 = arith.mulf %get3A_428, %mul3A_430 : vector<16xf32>
        %swap3A_432 = arith.index_cast %add3A_424 : i32 to index
        %swap3A_433 = arith.constant 0 : index
        %swap3A_434 = tpu.vector_load %arg6[%swap3A_432, %swap3A_433] {strides = array<i32>} : memref<512x64xf32, #tpu.memory_space<vmem>>, vector<1x16xf32>,
        %swap3A_435 = vector.shape_cast %swap3A_434 : vector<1x16xf32> to vector<16xf32>
        %swap3A_436 = vector.shape_cast %mul3A_431 : vector<16xf32> to vector<1x16xf32>
        tpu.vector_store %arg6[%swap3A_432, %swap3A_433], %swap3A_436 {strides = array<i32>} : memref<512x64xf32, #tpu.memory_space<vmem>>, vector<1x16xf32>,
        %mul3A_437 = arith.constant 4 : i32
        %mul3A_438 = arith.muli %mul3A_437, %scan3A_230 : i32
        %add3A_439 = arith.constant 3 : i32
        %add3A_440 = arith.addi %mul3A_438, %add3A_439 : i32
        %get3A_441 = arith.index_cast %add3A_440 : i32 to index
        %get3A_442 = arith.constant 16 : index
        %get3A_443 = tpu.vector_load %arg6[%get3A_441, %get3A_442] {strides = array<i32>} : memref<512x64xf32, #tpu.memory_space<vmem>>, vector<1x16xf32>,
        %get3A_444 = vector.shape_cast %get3A_443 : vector<1x16xf32> to vector<16xf32>
        %mul3A_445 = arith.constant 8.000000e+00 : f32
        %mul3A_446 = vector.broadcast %mul3A_445 : f32 to vector<16xf32>
        %mul3A_447 = arith.mulf %get3A_444, %mul3A_446 : vector<16xf32>
        %swap3A_448 = arith.index_cast %add3A_440 : i32 to index
        %swap3A_449 = arith.constant 16 : index
        %swap3A_450 = tpu.vector_load %arg6[%swap3A_448, %swap3A_449] {strides = array<i32>} : memref<512x64xf32, #tpu.memory_space<vmem>>, vector<1x16xf32>,
        %swap3A_451 = vector.shape_cast %swap3A_450 : vector<1x16xf32> to vector<16xf32>
        %swap3A_452 = vector.shape_cast %mul3A_447 : vector<16xf32> to vector<1x16xf32>
        tpu.vector_store %arg6[%swap3A_448, %swap3A_449], %swap3A_452 {strides = array<i32>} : memref<512x64xf32, #tpu.memory_space<vmem>>, vector<1x16xf32>,
        %mul3A_453 = arith.constant 4 : i32
        %mul3A_454 = arith.muli %mul3A_453, %scan3A_230 : i32
        %add3A_455 = arith.constant 3 : i32
        %add3A_456 = arith.addi %mul3A_454, %add3A_455 : i32
        %get3A_457 = arith.index_cast %add3A_456 : i32 to index
        %get3A_458 = arith.constant 32 : index
        %get3A_459 = tpu.vector_load %arg6[%get3A_457, %get3A_458] {strides = array<i32>} : memref<512x64xf32, #tpu.memory_space<vmem>>, vector<1x16xf32>,
        %get3A_460 = vector.shape_cast %get3A_459 : vector<1x16xf32> to vector<16xf32>
        %mul3A_461 = arith.constant 8.000000e+00 : f32
        %mul3A_462 = vector.broadcast %mul3A_461 : f32 to vector<16xf32>
        %mul3A_463 = arith.mulf %get3A_460, %mul3A_462 : vector<16xf32>
        %swap3A_464 = arith.index_cast %add3A_456 : i32 to index
        %swap3A_465 = arith.constant 32 : index
        %swap3A_466 = tpu.vector_load %arg6[%swap3A_464, %swap3A_465] {strides = array<i32>} : memref<512x64xf32, #tpu.memory_space<vmem>>, vector<1x16xf32>,
        %swap3A_467 = vector.shape_cast %swap3A_466 : vector<1x16xf32> to vector<16xf32>
        %swap3A_468 = vector.shape_cast %mul3A_463 : vector<16xf32> to vector<1x16xf32>
        tpu.vector_store %arg6[%swap3A_464, %swap3A_465], %swap3A_468 {strides = array<i32>} : memref<512x64xf32, #tpu.memory_space<vmem>>, vector<1x16xf32>,
        %mul3A_469 = arith.constant 4 : i32
        %mul3A_470 = arith.muli %mul3A_469, %scan3A_230 : i32
        %add3A_471 = arith.constant 3 : i32
        %add3A_472 = arith.addi %mul3A_470, %add3A_471 : i32
        %get3A_473 = arith.index_cast %add3A_472 : i32 to index
        %get3A_474 = arith.constant 48 : index
        %get3A_475 = tpu.vector_load %arg6[%get3A_473, %get3A_474] {strides = array<i32>} : memref<512x64xf32, #tpu.memory_space<vmem>>, vector<1x16xf32>,
        %get3A_476 = vector.shape_cast %get3A_475 : vector<1x16xf32> to vector<16xf32>
        %mul3A_477 = arith.constant 8.000000e+00 : f32
        %mul3A_478 = vector.broadcast %mul3A_477 : f32 to vector<16xf32>
        %mul3A_479 = arith.mulf %get3A_476, %mul3A_478 : vector<16xf32>
        %swap3A_480 = arith.index_cast %add3A_472 : i32 to index
        %swap3A_481 = arith.constant 48 : index
        %swap3A_482 = tpu.vector_load %arg6[%swap3A_480, %swap3A_481] {strides = array<i32>} : memref<512x64xf32, #tpu.memory_space<vmem>>, vector<1x16xf32>,
        %swap3A_483 = vector.shape_cast %swap3A_482 : vector<1x16xf32> to vector<16xf32>
        %swap3A_484 = vector.shape_cast %mul3A_479 : vector<16xf32> to vector<1x16xf32>
        tpu.vector_store %arg6[%swap3A_480, %swap3A_481], %swap3A_484 {strides = array<i32>} : memref<512x64xf32, #tpu.memory_space<vmem>>, vector<1x16xf32>,
      }
      %scan3A_150 = arith.constant 128 : i32
      %mul3A_151 = arith.constant 512 : i32
      %mul3A_152 = arith.muli %add3A_93, %mul3A_151 : i32
      %add3A_153 = arith.addi %mul3A_4, %mul3A_152 : i32
      "tpu.region"() ({
        %run_scoped3A = tpu.sem_alloc : memref<!tpu.dma_semaphore, #tpu.memory_space<semaphore_mem>>
        %dma_start3A_230 = arith.constant 0 : i32
        %dma_start3A_231 = tpu.memref_slice %arg4[%add3A_153, %dma_start3A_230] : memref<327680x64xf32, #tpu.memory_space<hbm>> -> memref<512x64xf32, #tpu.memory_space<hbm>>
        %dma_start3A_232 = arith.constant 0 : i32
        %dma_start3A_233 = tpu.memref_slice %arg4[%add3A_153, %dma_start3A_232] : memref<327680x64xf32, #tpu.memory_space<hbm>> -> memref<512x64xf32, #tpu.memory_space<hbm>>
        tpu.enqueue_dma source(%arg6 : memref<512x64xf32, #tpu.memory_space<vmem>>) target(%dma_start3A_233 : memref<512x64xf32, #tpu.memory_space<hbm>>) target_semaphore(%run_scoped3A : memref<!tpu.dma_semaphore, #tpu.memory_space<semaphore_mem>>)
        %dma_wait3A_234 = arith.constant 0 : i32
        %dma_wait3A_235 = tpu.memref_slice %arg4[%add3A_153, %dma_wait3A_234] : memref<327680x64xf32, #tpu.memory_space<hbm>> -> memref<512x64xf32, #tpu.memory_space<hbm>>
        %dma_wait3A_236 = arith.constant 0 : i32
        %dma_wait3A_237 = tpu.memref_slice %arg4[%add3A_153, %dma_wait3A_236] : memref<327680x64xf32, #tpu.memory_space<hbm>> -> memref<512x64xf32, #tpu.memory_space<hbm>>
        tpu.wait_dma2 semaphore(%run_scoped3A : memref<!tpu.dma_semaphore, #tpu.memory_space<semaphore_mem>>) src(%arg6 : memref<512x64xf32, #tpu.memory_space<vmem>>) dst(%dma_wait3A_237 : memref<512x64xf32, #tpu.memory_space<hbm>>)
        tpu.yield
      }) : () -> ()
      %add3A_154 = arith.constant 2 : i32
      %add3A_155 = arith.addi %add3A_93, %add3A_154 : i32
      %lt3A = arith.constant 20 : i32
      %lt3A_156 = arith.cmpi slt, %add3A_155, %lt3A : i32
      %convert_element_type3A = arith.extui %lt3A_156 : i1 to i32
      %cond3A = arith.constant 0 : i32
      %cond3A_157 = arith.cmpi ne, %convert_element_type3A, %cond3A : i32
      scf.if %cond3A_157 {
        %add3A_230 = arith.constant 2 : i32
        %add3A_231 = arith.addi %add3A_93, %add3A_230 : i32
        %mul3A_232 = arith.constant 4 : i32
        %mul3A_233 = arith.muli %add3A_231, %mul3A_232 : i32
        %add3A_234 = arith.constant 0 : i32
        %add3A_235 = arith.addi %mul3A_233, %add3A_234 : i32
        %dma_start3A_236 = arith.constant 0 : i32
        %dma_start3A_237 = arith.constant 0 : i32
        %dma_start3A_238 = tpu.memref_slice %arg6[%dma_start3A_236, %dma_start3A_237] : memref<512x64xf32, #tpu.memory_space<vmem>> -> memref<128x64xf32, #tpu.memory_space<vmem>>
        %dma_start3A_239 = arith.constant 0 : i32
        %dma_start3A_240 = tpu.memref_slice %arg5[%add3A_235, %dma_start3A_239] : memref<80x128xi32, #tpu.memory_space<vmem>> -> memref<1x128xi32, #tpu.memory_space<vmem>>
        %dma_start3A_241 = tpu.memref_squeeze %dma_start3A_240 : memref<1x128xi32, #tpu.memory_space<vmem>> -> memref<128xi32, #tpu.memory_space<vmem>>
        %dma_start3A_242 = arith.constant 0 : i32
        %dma_start3A_243 = arith.constant 0 : i32
        %dma_start3A_244 = tpu.memref_slice %arg3[%dma_start3A_242, %dma_start3A_243] : memref<1000000x64xf32, #tpu.memory_space<hbm>> -> memref<1000000x64xf32, #tpu.memory_space<hbm>>
        tpu.enqueue_indirect_dma source(%dma_start3A_244 : memref<1000000x64xf32, #tpu.memory_space<hbm>>) target(%dma_start3A_238 : memref<128x64xf32, #tpu.memory_space<vmem>>) offsets(%dma_start3A_241 : memref<128xi32, #tpu.memory_space<vmem>>) semaphore(%arg8 : memref<!tpu.dma_semaphore, #tpu.memory_space<semaphore_mem>>)
        %mul3A_245 = arith.constant 4 : i32
        %mul3A_246 = arith.muli %add3A_231, %mul3A_245 : i32
        %add3A_247 = arith.constant 1 : i32
        %add3A_248 = arith.addi %mul3A_246, %add3A_247 : i32
        %dma_start3A_249 = arith.constant 128 : i32
        %dma_start3A_250 = arith.constant 0 : i32
        %dma_start3A_251 = tpu.memref_slice %arg6[%dma_start3A_249, %dma_start3A_250] : memref<512x64xf32, #tpu.memory_space<vmem>> -> memref<128x64xf32, #tpu.memory_space<vmem>>
        %dma_start3A_252 = arith.constant 0 : i32
        %dma_start3A_253 = tpu.memref_slice %arg5[%add3A_248, %dma_start3A_252] : memref<80x128xi32, #tpu.memory_space<vmem>> -> memref<1x128xi32, #tpu.memory_space<vmem>>
        %dma_start3A_254 = tpu.memref_squeeze %dma_start3A_253 : memref<1x128xi32, #tpu.memory_space<vmem>> -> memref<128xi32, #tpu.memory_space<vmem>>
        %dma_start3A_255 = arith.constant 0 : i32
        %dma_start3A_256 = arith.constant 0 : i32
        %dma_start3A_257 = tpu.memref_slice %arg3[%dma_start3A_255, %dma_start3A_256] : memref<1000000x64xf32, #tpu.memory_space<hbm>> -> memref<1000000x64xf32, #tpu.memory_space<hbm>>
        tpu.enqueue_indirect_dma source(%dma_start3A_257 : memref<1000000x64xf32, #tpu.memory_space<hbm>>) target(%dma_start3A_251 : memref<128x64xf32, #tpu.memory_space<vmem>>) offsets(%dma_start3A_254 : memref<128xi32, #tpu.memory_space<vmem>>) semaphore(%arg8 : memref<!tpu.dma_semaphore, #tpu.memory_space<semaphore_mem>>)
        %mul3A_258 = arith.constant 4 : i32
        %mul3A_259 = arith.muli %add3A_231, %mul3A_258 : i32
        %add3A_260 = arith.constant 2 : i32
        %add3A_261 = arith.addi %mul3A_259, %add3A_260 : i32
        %dma_start3A_262 = arith.constant 256 : i32
        %dma_start3A_263 = arith.constant 0 : i32
        %dma_start3A_264 = tpu.memref_slice %arg6[%dma_start3A_262, %dma_start3A_263] : memref<512x64xf32, #tpu.memory_space<vmem>> -> memref<128x64xf32, #tpu.memory_space<vmem>>
        %dma_start3A_265 = arith.constant 0 : i32
        %dma_start3A_266 = tpu.memref_slice %arg5[%add3A_261, %dma_start3A_265] : memref<80x128xi32, #tpu.memory_space<vmem>> -> memref<1x128xi32, #tpu.memory_space<vmem>>
        %dma_start3A_267 = tpu.memref_squeeze %dma_start3A_266 : memref<1x128xi32, #tpu.memory_space<vmem>> -> memref<128xi32, #tpu.memory_space<vmem>>
        %dma_start3A_268 = arith.constant 0 : i32
        %dma_start3A_269 = arith.constant 0 : i32
        %dma_start3A_270 = tpu.memref_slice %arg3[%dma_start3A_268, %dma_start3A_269] : memref<1000000x64xf32, #tpu.memory_space<hbm>> -> memref<1000000x64xf32, #tpu.memory_space<hbm>>
        tpu.enqueue_indirect_dma source(%dma_start3A_270 : memref<1000000x64xf32, #tpu.memory_space<hbm>>) target(%dma_start3A_264 : memref<128x64xf32, #tpu.memory_space<vmem>>) offsets(%dma_start3A_267 : memref<128xi32, #tpu.memory_space<vmem>>) semaphore(%arg8 : memref<!tpu.dma_semaphore, #tpu.memory_space<semaphore_mem>>)
        %mul3A_271 = arith.constant 4 : i32
        %mul3A_272 = arith.muli %add3A_231, %mul3A_271 : i32
        %add3A_273 = arith.constant 3 : i32
        %add3A_274 = arith.addi %mul3A_272, %add3A_273 : i32
        %dma_start3A_275 = arith.constant 384 : i32
        %dma_start3A_276 = arith.constant 0 : i32
        %dma_start3A_277 = tpu.memref_slice %arg6[%dma_start3A_275, %dma_start3A_276] : memref<512x64xf32, #tpu.memory_space<vmem>> -> memref<128x64xf32, #tpu.memory_space<vmem>>
        %dma_start3A_278 = arith.constant 0 : i32
        %dma_start3A_279 = tpu.memref_slice %arg5[%add3A_274, %dma_start3A_278] : memref<80x128xi32, #tpu.memory_space<vmem>> -> memref<1x128xi32, #tpu.memory_space<vmem>>
        %dma_start3A_280 = tpu.memref_squeeze %dma_start3A_279 : memref<1x128xi32, #tpu.memory_space<vmem>> -> memref<128xi32, #tpu.memory_space<vmem>>
        %dma_start3A_281 = arith.constant 0 : i32
        %dma_start3A_282 = arith.constant 0 : i32
        %dma_start3A_283 = tpu.memref_slice %arg3[%dma_start3A_281, %dma_start3A_282] : memref<1000000x64xf32, #tpu.memory_space<hbm>> -> memref<1000000x64xf32, #tpu.memory_space<hbm>>
        tpu.enqueue_indirect_dma source(%dma_start3A_283 : memref<1000000x64xf32, #tpu.memory_space<hbm>>) target(%dma_start3A_277 : memref<128x64xf32, #tpu.memory_space<vmem>>) offsets(%dma_start3A_280 : memref<128xi32, #tpu.memory_space<vmem>>) semaphore(%arg8 : memref<!tpu.dma_semaphore, #tpu.memory_space<semaphore_mem>>)
      } else {
      }
      %mul3A_158 = arith.constant 2 : i32
      %mul3A_159 = arith.muli %mul3A_158, %scan3A_89 : i32
      %add3A_160 = arith.constant 1 : i32
      %add3A_161 = arith.addi %mul3A_159, %add3A_160 : i32
      %mul3A_162 = arith.constant 4 : i32
      %mul3A_163 = arith.muli %add3A_161, %mul3A_162 : i32
      %add3A_164 = arith.constant 0 : i32
      %add3A_165 = arith.addi %mul3A_163, %add3A_164 : i32
      %dma_wait3A_166 = arith.constant 0 : i32
      %dma_wait3A_167 = arith.constant 0 : i32
      %dma_wait3A_168 = tpu.memref_slice %arg7[%dma_wait3A_166, %dma_wait3A_167] : memref<512x64xf32, #tpu.memory_space<vmem>> -> memref<128x64xf32, #tpu.memory_space<vmem>>
      %dma_wait3A_169 = arith.constant 0 : i32
      %dma_wait3A_170 = tpu.memref_slice %arg5[%add3A_165, %dma_wait3A_169] : memref<80x128xi32, #tpu.memory_space<vmem>> -> memref<1x128xi32, #tpu.memory_space<vmem>>
      %dma_wait3A_171 = tpu.memref_squeeze %dma_wait3A_170 : memref<1x128xi32, #tpu.memory_space<vmem>> -> memref<128xi32, #tpu.memory_space<vmem>>
      %dma_wait3A_172 = arith.constant 0 : i32
      %dma_wait3A_173 = arith.constant 0 : i32
      %dma_wait3A_174 = tpu.memref_slice %arg3[%dma_wait3A_172, %dma_wait3A_173] : memref<1000000x64xf32, #tpu.memory_space<hbm>> -> memref<1000000x64xf32, #tpu.memory_space<hbm>>
      tpu.wait_indirect_dma semaphore(%arg9 : memref<!tpu.dma_semaphore, #tpu.memory_space<semaphore_mem>>) src(%dma_wait3A_174 : memref<1000000x64xf32, #tpu.memory_space<hbm>>) dst(%dma_wait3A_168 : memref<128x64xf32, #tpu.memory_space<vmem>>)
      %mul3A_175 = arith.constant 4 : i32
      %mul3A_176 = arith.muli %add3A_161, %mul3A_175 : i32
      %add3A_177 = arith.constant 1 : i32
      %add3A_178 = arith.addi %mul3A_176, %add3A_177 : i32
      %dma_wait3A_179 = arith.constant 128 : i32
      %dma_wait3A_180 = arith.constant 0 : i32
      %dma_wait3A_181 = tpu.memref_slice %arg7[%dma_wait3A_179, %dma_wait3A_180] : memref<512x64xf32, #tpu.memory_space<vmem>> -> memref<128x64xf32, #tpu.memory_space<vmem>>
      %dma_wait3A_182 = arith.constant 0 : i32
      %dma_wait3A_183 = tpu.memref_slice %arg5[%add3A_178, %dma_wait3A_182] : memref<80x128xi32, #tpu.memory_space<vmem>> -> memref<1x128xi32, #tpu.memory_space<vmem>>
      %dma_wait3A_184 = tpu.memref_squeeze %dma_wait3A_183 : memref<1x128xi32, #tpu.memory_space<vmem>> -> memref<128xi32, #tpu.memory_space<vmem>>
      %dma_wait3A_185 = arith.constant 0 : i32
      %dma_wait3A_186 = arith.constant 0 : i32
      %dma_wait3A_187 = tpu.memref_slice %arg3[%dma_wait3A_185, %dma_wait3A_186] : memref<1000000x64xf32, #tpu.memory_space<hbm>> -> memref<1000000x64xf32, #tpu.memory_space<hbm>>
      tpu.wait_indirect_dma semaphore(%arg9 : memref<!tpu.dma_semaphore, #tpu.memory_space<semaphore_mem>>) src(%dma_wait3A_187 : memref<1000000x64xf32, #tpu.memory_space<hbm>>) dst(%dma_wait3A_181 : memref<128x64xf32, #tpu.memory_space<vmem>>)
      %mul3A_188 = arith.constant 4 : i32
      %mul3A_189 = arith.muli %add3A_161, %mul3A_188 : i32
      %add3A_190 = arith.constant 2 : i32
      %add3A_191 = arith.addi %mul3A_189, %add3A_190 : i32
      %dma_wait3A_192 = arith.constant 256 : i32
      %dma_wait3A_193 = arith.constant 0 : i32
      %dma_wait3A_194 = tpu.memref_slice %arg7[%dma_wait3A_192, %dma_wait3A_193] : memref<512x64xf32, #tpu.memory_space<vmem>> -> memref<128x64xf32, #tpu.memory_space<vmem>>
      %dma_wait3A_195 = arith.constant 0 : i32
      %dma_wait3A_196 = tpu.memref_slice %arg5[%add3A_191, %dma_wait3A_195] : memref<80x128xi32, #tpu.memory_space<vmem>> -> memref<1x128xi32, #tpu.memory_space<vmem>>
      %dma_wait3A_197 = tpu.memref_squeeze %dma_wait3A_196 : memref<1x128xi32, #tpu.memory_space<vmem>> -> memref<128xi32, #tpu.memory_space<vmem>>
      %dma_wait3A_198 = arith.constant 0 : i32
      %dma_wait3A_199 = arith.constant 0 : i32
      %dma_wait3A_200 = tpu.memref_slice %arg3[%dma_wait3A_198, %dma_wait3A_199] : memref<1000000x64xf32, #tpu.memory_space<hbm>> -> memref<1000000x64xf32, #tpu.memory_space<hbm>>
      tpu.wait_indirect_dma semaphore(%arg9 : memref<!tpu.dma_semaphore, #tpu.memory_space<semaphore_mem>>) src(%dma_wait3A_200 : memref<1000000x64xf32, #tpu.memory_space<hbm>>) dst(%dma_wait3A_194 : memref<128x64xf32, #tpu.memory_space<vmem>>)
      %mul3A_201 = arith.constant 4 : i32
      %mul3A_202 = arith.muli %add3A_161, %mul3A_201 : i32
      %add3A_203 = arith.constant 3 : i32
      %add3A_204 = arith.addi %mul3A_202, %add3A_203 : i32
      %dma_wait3A_205 = arith.constant 384 : i32
      %dma_wait3A_206 = arith.constant 0 : i32
      %dma_wait3A_207 = tpu.memref_slice %arg7[%dma_wait3A_205, %dma_wait3A_206] : memref<512x64xf32, #tpu.memory_space<vmem>> -> memref<128x64xf32, #tpu.memory_space<vmem>>
      %dma_wait3A_208 = arith.constant 0 : i32
      %dma_wait3A_209 = tpu.memref_slice %arg5[%add3A_204, %dma_wait3A_208] : memref<80x128xi32, #tpu.memory_space<vmem>> -> memref<1x128xi32, #tpu.memory_space<vmem>>
      %dma_wait3A_210 = tpu.memref_squeeze %dma_wait3A_209 : memref<1x128xi32, #tpu.memory_space<vmem>> -> memref<128xi32, #tpu.memory_space<vmem>>
      %dma_wait3A_211 = arith.constant 0 : i32
      %dma_wait3A_212 = arith.constant 0 : i32
      %dma_wait3A_213 = tpu.memref_slice %arg3[%dma_wait3A_211, %dma_wait3A_212] : memref<1000000x64xf32, #tpu.memory_space<hbm>> -> memref<1000000x64xf32, #tpu.memory_space<hbm>>
      tpu.wait_indirect_dma semaphore(%arg9 : memref<!tpu.dma_semaphore, #tpu.memory_space<semaphore_mem>>) src(%dma_wait3A_213 : memref<1000000x64xf32, #tpu.memory_space<hbm>>) dst(%dma_wait3A_207 : memref<128x64xf32, #tpu.memory_space<vmem>>)
      %scan3A_214 = arith.constant 0 : i32
      %scan3A_215 = arith.constant 0 : i32
      %scan3A_216 = arith.constant 128 : i32
      %scan3A_217 = arith.addi %scan3A_215, %scan3A_216 : i32
      %scan3A_218 = arith.constant 1 : i32
      scf.for %scan3A_230 = %scan3A_215 to %scan3A_217 step %scan3A_218  : i32 {
        %mul3A_231 = arith.constant 4 : i32
        %mul3A_232 = arith.muli %mul3A_231, %scan3A_230 : i32
        %add3A_233 = arith.constant 0 : i32
        %add3A_234 = arith.addi %mul3A_232, %add3A_233 : i32
        %get3A = arith.index_cast %add3A_234 : i32 to index
        %get3A_235 = arith.constant 0 : index
        %get3A_236 = tpu.vector_load %arg7[%get3A, %get3A_235] {strides = array<i32>} : memref<512x64xf32, #tpu.memory_space<vmem>>, vector<1x16xf32>,
        %get3A_237 = vector.shape_cast %get3A_236 : vector<1x16xf32> to vector<16xf32>
        %mul3A_238 = arith.constant 8.000000e+00 : f32
        %mul3A_239 = vector.broadcast %mul3A_238 : f32 to vector<16xf32>
        %mul3A_240 = arith.mulf %get3A_237, %mul3A_239 : vector<16xf32>
        %swap3A = arith.index_cast %add3A_234 : i32 to index
        %swap3A_241 = arith.constant 0 : index
        %swap3A_242 = tpu.vector_load %arg7[%swap3A, %swap3A_241] {strides = array<i32>} : memref<512x64xf32, #tpu.memory_space<vmem>>, vector<1x16xf32>,
        %swap3A_243 = vector.shape_cast %swap3A_242 : vector<1x16xf32> to vector<16xf32>
        %swap3A_244 = vector.shape_cast %mul3A_240 : vector<16xf32> to vector<1x16xf32>
        tpu.vector_store %arg7[%swap3A, %swap3A_241], %swap3A_244 {strides = array<i32>} : memref<512x64xf32, #tpu.memory_space<vmem>>, vector<1x16xf32>,
        %mul3A_245 = arith.constant 4 : i32
        %mul3A_246 = arith.muli %mul3A_245, %scan3A_230 : i32
        %add3A_247 = arith.constant 0 : i32
        %add3A_248 = arith.addi %mul3A_246, %add3A_247 : i32
        %get3A_249 = arith.index_cast %add3A_248 : i32 to index
        %get3A_250 = arith.constant 16 : index
        %get3A_251 = tpu.vector_load %arg7[%get3A_249, %get3A_250] {strides = array<i32>} : memref<512x64xf32, #tpu.memory_space<vmem>>, vector<1x16xf32>,
        %get3A_252 = vector.shape_cast %get3A_251 : vector<1x16xf32> to vector<16xf32>
        %mul3A_253 = arith.constant 8.000000e+00 : f32
        %mul3A_254 = vector.broadcast %mul3A_253 : f32 to vector<16xf32>
        %mul3A_255 = arith.mulf %get3A_252, %mul3A_254 : vector<16xf32>
        %swap3A_256 = arith.index_cast %add3A_248 : i32 to index
        %swap3A_257 = arith.constant 16 : index
        %swap3A_258 = tpu.vector_load %arg7[%swap3A_256, %swap3A_257] {strides = array<i32>} : memref<512x64xf32, #tpu.memory_space<vmem>>, vector<1x16xf32>,
        %swap3A_259 = vector.shape_cast %swap3A_258 : vector<1x16xf32> to vector<16xf32>
        %swap3A_260 = vector.shape_cast %mul3A_255 : vector<16xf32> to vector<1x16xf32>
        tpu.vector_store %arg7[%swap3A_256, %swap3A_257], %swap3A_260 {strides = array<i32>} : memref<512x64xf32, #tpu.memory_space<vmem>>, vector<1x16xf32>,
        %mul3A_261 = arith.constant 4 : i32
        %mul3A_262 = arith.muli %mul3A_261, %scan3A_230 : i32
        %add3A_263 = arith.constant 0 : i32
        %add3A_264 = arith.addi %mul3A_262, %add3A_263 : i32
        %get3A_265 = arith.index_cast %add3A_264 : i32 to index
        %get3A_266 = arith.constant 32 : index
        %get3A_267 = tpu.vector_load %arg7[%get3A_265, %get3A_266] {strides = array<i32>} : memref<512x64xf32, #tpu.memory_space<vmem>>, vector<1x16xf32>,
        %get3A_268 = vector.shape_cast %get3A_267 : vector<1x16xf32> to vector<16xf32>
        %mul3A_269 = arith.constant 8.000000e+00 : f32
        %mul3A_270 = vector.broadcast %mul3A_269 : f32 to vector<16xf32>
        %mul3A_271 = arith.mulf %get3A_268, %mul3A_270 : vector<16xf32>
        %swap3A_272 = arith.index_cast %add3A_264 : i32 to index
        %swap3A_273 = arith.constant 32 : index
        %swap3A_274 = tpu.vector_load %arg7[%swap3A_272, %swap3A_273] {strides = array<i32>} : memref<512x64xf32, #tpu.memory_space<vmem>>, vector<1x16xf32>,
        %swap3A_275 = vector.shape_cast %swap3A_274 : vector<1x16xf32> to vector<16xf32>
        %swap3A_276 = vector.shape_cast %mul3A_271 : vector<16xf32> to vector<1x16xf32>
        tpu.vector_store %arg7[%swap3A_272, %swap3A_273], %swap3A_276 {strides = array<i32>} : memref<512x64xf32, #tpu.memory_space<vmem>>, vector<1x16xf32>,
        %mul3A_277 = arith.constant 4 : i32
        %mul3A_278 = arith.muli %mul3A_277, %scan3A_230 : i32
        %add3A_279 = arith.constant 0 : i32
        %add3A_280 = arith.addi %mul3A_278, %add3A_279 : i32
        %get3A_281 = arith.index_cast %add3A_280 : i32 to index
        %get3A_282 = arith.constant 48 : index
        %get3A_283 = tpu.vector_load %arg7[%get3A_281, %get3A_282] {strides = array<i32>} : memref<512x64xf32, #tpu.memory_space<vmem>>, vector<1x16xf32>,
        %get3A_284 = vector.shape_cast %get3A_283 : vector<1x16xf32> to vector<16xf32>
        %mul3A_285 = arith.constant 8.000000e+00 : f32
        %mul3A_286 = vector.broadcast %mul3A_285 : f32 to vector<16xf32>
        %mul3A_287 = arith.mulf %get3A_284, %mul3A_286 : vector<16xf32>
        %swap3A_288 = arith.index_cast %add3A_280 : i32 to index
        %swap3A_289 = arith.constant 48 : index
        %swap3A_290 = tpu.vector_load %arg7[%swap3A_288, %swap3A_289] {strides = array<i32>} : memref<512x64xf32, #tpu.memory_space<vmem>>, vector<1x16xf32>,
        %swap3A_291 = vector.shape_cast %swap3A_290 : vector<1x16xf32> to vector<16xf32>
        %swap3A_292 = vector.shape_cast %mul3A_287 : vector<16xf32> to vector<1x16xf32>
        tpu.vector_store %arg7[%swap3A_288, %swap3A_289], %swap3A_292 {strides = array<i32>} : memref<512x64xf32, #tpu.memory_space<vmem>>, vector<1x16xf32>,
        %mul3A_293 = arith.constant 4 : i32
        %mul3A_294 = arith.muli %mul3A_293, %scan3A_230 : i32
        %add3A_295 = arith.constant 1 : i32
        %add3A_296 = arith.addi %mul3A_294, %add3A_295 : i32
        %get3A_297 = arith.index_cast %add3A_296 : i32 to index
        %get3A_298 = arith.constant 0 : index
        %get3A_299 = tpu.vector_load %arg7[%get3A_297, %get3A_298] {strides = array<i32>} : memref<512x64xf32, #tpu.memory_space<vmem>>, vector<1x16xf32>,
        %get3A_300 = vector.shape_cast %get3A_299 : vector<1x16xf32> to vector<16xf32>
        %mul3A_301 = arith.constant 8.000000e+00 : f32
        %mul3A_302 = vector.broadcast %mul3A_301 : f32 to vector<16xf32>
        %mul3A_303 = arith.mulf %get3A_300, %mul3A_302 : vector<16xf32>
        %swap3A_304 = arith.index_cast %add3A_296 : i32 to index
        %swap3A_305 = arith.constant 0 : index
        %swap3A_306 = tpu.vector_load %arg7[%swap3A_304, %swap3A_305] {strides = array<i32>} : memref<512x64xf32, #tpu.memory_space<vmem>>, vector<1x16xf32>,
        %swap3A_307 = vector.shape_cast %swap3A_306 : vector<1x16xf32> to vector<16xf32>
        %swap3A_308 = vector.shape_cast %mul3A_303 : vector<16xf32> to vector<1x16xf32>
        tpu.vector_store %arg7[%swap3A_304, %swap3A_305], %swap3A_308 {strides = array<i32>} : memref<512x64xf32, #tpu.memory_space<vmem>>, vector<1x16xf32>,
        %mul3A_309 = arith.constant 4 : i32
        %mul3A_310 = arith.muli %mul3A_309, %scan3A_230 : i32
        %add3A_311 = arith.constant 1 : i32
        %add3A_312 = arith.addi %mul3A_310, %add3A_311 : i32
        %get3A_313 = arith.index_cast %add3A_312 : i32 to index
        %get3A_314 = arith.constant 16 : index
        %get3A_315 = tpu.vector_load %arg7[%get3A_313, %get3A_314] {strides = array<i32>} : memref<512x64xf32, #tpu.memory_space<vmem>>, vector<1x16xf32>,
        %get3A_316 = vector.shape_cast %get3A_315 : vector<1x16xf32> to vector<16xf32>
        %mul3A_317 = arith.constant 8.000000e+00 : f32
        %mul3A_318 = vector.broadcast %mul3A_317 : f32 to vector<16xf32>
        %mul3A_319 = arith.mulf %get3A_316, %mul3A_318 : vector<16xf32>
        %swap3A_320 = arith.index_cast %add3A_312 : i32 to index
        %swap3A_321 = arith.constant 16 : index
        %swap3A_322 = tpu.vector_load %arg7[%swap3A_320, %swap3A_321] {strides = array<i32>} : memref<512x64xf32, #tpu.memory_space<vmem>>, vector<1x16xf32>,
        %swap3A_323 = vector.shape_cast %swap3A_322 : vector<1x16xf32> to vector<16xf32>
        %swap3A_324 = vector.shape_cast %mul3A_319 : vector<16xf32> to vector<1x16xf32>
        tpu.vector_store %arg7[%swap3A_320, %swap3A_321], %swap3A_324 {strides = array<i32>} : memref<512x64xf32, #tpu.memory_space<vmem>>, vector<1x16xf32>,
        %mul3A_325 = arith.constant 4 : i32
        %mul3A_326 = arith.muli %mul3A_325, %scan3A_230 : i32
        %add3A_327 = arith.constant 1 : i32
        %add3A_328 = arith.addi %mul3A_326, %add3A_327 : i32
        %get3A_329 = arith.index_cast %add3A_328 : i32 to index
        %get3A_330 = arith.constant 32 : index
        %get3A_331 = tpu.vector_load %arg7[%get3A_329, %get3A_330] {strides = array<i32>} : memref<512x64xf32, #tpu.memory_space<vmem>>, vector<1x16xf32>,
        %get3A_332 = vector.shape_cast %get3A_331 : vector<1x16xf32> to vector<16xf32>
        %mul3A_333 = arith.constant 8.000000e+00 : f32
        %mul3A_334 = vector.broadcast %mul3A_333 : f32 to vector<16xf32>
        %mul3A_335 = arith.mulf %get3A_332, %mul3A_334 : vector<16xf32>
        %swap3A_336 = arith.index_cast %add3A_328 : i32 to index
        %swap3A_337 = arith.constant 32 : index
        %swap3A_338 = tpu.vector_load %arg7[%swap3A_336, %swap3A_337] {strides = array<i32>} : memref<512x64xf32, #tpu.memory_space<vmem>>, vector<1x16xf32>,
        %swap3A_339 = vector.shape_cast %swap3A_338 : vector<1x16xf32> to vector<16xf32>
        %swap3A_340 = vector.shape_cast %mul3A_335 : vector<16xf32> to vector<1x16xf32>
        tpu.vector_store %arg7[%swap3A_336, %swap3A_337], %swap3A_340 {strides = array<i32>} : memref<512x64xf32, #tpu.memory_space<vmem>>, vector<1x16xf32>,
        %mul3A_341 = arith.constant 4 : i32
        %mul3A_342 = arith.muli %mul3A_341, %scan3A_230 : i32
        %add3A_343 = arith.constant 1 : i32
        %add3A_344 = arith.addi %mul3A_342, %add3A_343 : i32
        %get3A_345 = arith.index_cast %add3A_344 : i32 to index
        %get3A_346 = arith.constant 48 : index
        %get3A_347 = tpu.vector_load %arg7[%get3A_345, %get3A_346] {strides = array<i32>} : memref<512x64xf32, #tpu.memory_space<vmem>>, vector<1x16xf32>,
        %get3A_348 = vector.shape_cast %get3A_347 : vector<1x16xf32> to vector<16xf32>
        %mul3A_349 = arith.constant 8.000000e+00 : f32
        %mul3A_350 = vector.broadcast %mul3A_349 : f32 to vector<16xf32>
        %mul3A_351 = arith.mulf %get3A_348, %mul3A_350 : vector<16xf32>
        %swap3A_352 = arith.index_cast %add3A_344 : i32 to index
        %swap3A_353 = arith.constant 48 : index
        %swap3A_354 = tpu.vector_load %arg7[%swap3A_352, %swap3A_353] {strides = array<i32>} : memref<512x64xf32, #tpu.memory_space<vmem>>, vector<1x16xf32>,
        %swap3A_355 = vector.shape_cast %swap3A_354 : vector<1x16xf32> to vector<16xf32>
        %swap3A_356 = vector.shape_cast %mul3A_351 : vector<16xf32> to vector<1x16xf32>
        tpu.vector_store %arg7[%swap3A_352, %swap3A_353], %swap3A_356 {strides = array<i32>} : memref<512x64xf32, #tpu.memory_space<vmem>>, vector<1x16xf32>,
        %mul3A_357 = arith.constant 4 : i32
        %mul3A_358 = arith.muli %mul3A_357, %scan3A_230 : i32
        %add3A_359 = arith.constant 2 : i32
        %add3A_360 = arith.addi %mul3A_358, %add3A_359 : i32
        %get3A_361 = arith.index_cast %add3A_360 : i32 to index
        %get3A_362 = arith.constant 0 : index
        %get3A_363 = tpu.vector_load %arg7[%get3A_361, %get3A_362] {strides = array<i32>} : memref<512x64xf32, #tpu.memory_space<vmem>>, vector<1x16xf32>,
        %get3A_364 = vector.shape_cast %get3A_363 : vector<1x16xf32> to vector<16xf32>
        %mul3A_365 = arith.constant 8.000000e+00 : f32
        %mul3A_366 = vector.broadcast %mul3A_365 : f32 to vector<16xf32>
        %mul3A_367 = arith.mulf %get3A_364, %mul3A_366 : vector<16xf32>
        %swap3A_368 = arith.index_cast %add3A_360 : i32 to index
        %swap3A_369 = arith.constant 0 : index
        %swap3A_370 = tpu.vector_load %arg7[%swap3A_368, %swap3A_369] {strides = array<i32>} : memref<512x64xf32, #tpu.memory_space<vmem>>, vector<1x16xf32>,
        %swap3A_371 = vector.shape_cast %swap3A_370 : vector<1x16xf32> to vector<16xf32>
        %swap3A_372 = vector.shape_cast %mul3A_367 : vector<16xf32> to vector<1x16xf32>
        tpu.vector_store %arg7[%swap3A_368, %swap3A_369], %swap3A_372 {strides = array<i32>} : memref<512x64xf32, #tpu.memory_space<vmem>>, vector<1x16xf32>,
        %mul3A_373 = arith.constant 4 : i32
        %mul3A_374 = arith.muli %mul3A_373, %scan3A_230 : i32
        %add3A_375 = arith.constant 2 : i32
        %add3A_376 = arith.addi %mul3A_374, %add3A_375 : i32
        %get3A_377 = arith.index_cast %add3A_376 : i32 to index
        %get3A_378 = arith.constant 16 : index
        %get3A_379 = tpu.vector_load %arg7[%get3A_377, %get3A_378] {strides = array<i32>} : memref<512x64xf32, #tpu.memory_space<vmem>>, vector<1x16xf32>,
        %get3A_380 = vector.shape_cast %get3A_379 : vector<1x16xf32> to vector<16xf32>
        %mul3A_381 = arith.constant 8.000000e+00 : f32
        %mul3A_382 = vector.broadcast %mul3A_381 : f32 to vector<16xf32>
        %mul3A_383 = arith.mulf %get3A_380, %mul3A_382 : vector<16xf32>
        %swap3A_384 = arith.index_cast %add3A_376 : i32 to index
        %swap3A_385 = arith.constant 16 : index
        %swap3A_386 = tpu.vector_load %arg7[%swap3A_384, %swap3A_385] {strides = array<i32>} : memref<512x64xf32, #tpu.memory_space<vmem>>, vector<1x16xf32>,
        %swap3A_387 = vector.shape_cast %swap3A_386 : vector<1x16xf32> to vector<16xf32>
        %swap3A_388 = vector.shape_cast %mul3A_383 : vector<16xf32> to vector<1x16xf32>
        tpu.vector_store %arg7[%swap3A_384, %swap3A_385], %swap3A_388 {strides = array<i32>} : memref<512x64xf32, #tpu.memory_space<vmem>>, vector<1x16xf32>,
        %mul3A_389 = arith.constant 4 : i32
        %mul3A_390 = arith.muli %mul3A_389, %scan3A_230 : i32
        %add3A_391 = arith.constant 2 : i32
        %add3A_392 = arith.addi %mul3A_390, %add3A_391 : i32
        %get3A_393 = arith.index_cast %add3A_392 : i32 to index
        %get3A_394 = arith.constant 32 : index
        %get3A_395 = tpu.vector_load %arg7[%get3A_393, %get3A_394] {strides = array<i32>} : memref<512x64xf32, #tpu.memory_space<vmem>>, vector<1x16xf32>,
        %get3A_396 = vector.shape_cast %get3A_395 : vector<1x16xf32> to vector<16xf32>
        %mul3A_397 = arith.constant 8.000000e+00 : f32
        %mul3A_398 = vector.broadcast %mul3A_397 : f32 to vector<16xf32>
        %mul3A_399 = arith.mulf %get3A_396, %mul3A_398 : vector<16xf32>
        %swap3A_400 = arith.index_cast %add3A_392 : i32 to index
        %swap3A_401 = arith.constant 32 : index
        %swap3A_402 = tpu.vector_load %arg7[%swap3A_400, %swap3A_401] {strides = array<i32>} : memref<512x64xf32, #tpu.memory_space<vmem>>, vector<1x16xf32>,
        %swap3A_403 = vector.shape_cast %swap3A_402 : vector<1x16xf32> to vector<16xf32>
        %swap3A_404 = vector.shape_cast %mul3A_399 : vector<16xf32> to vector<1x16xf32>
        tpu.vector_store %arg7[%swap3A_400, %swap3A_401], %swap3A_404 {strides = array<i32>} : memref<512x64xf32, #tpu.memory_space<vmem>>, vector<1x16xf32>,
        %mul3A_405 = arith.constant 4 : i32
        %mul3A_406 = arith.muli %mul3A_405, %scan3A_230 : i32
        %add3A_407 = arith.constant 2 : i32
        %add3A_408 = arith.addi %mul3A_406, %add3A_407 : i32
        %get3A_409 = arith.index_cast %add3A_408 : i32 to index
        %get3A_410 = arith.constant 48 : index
        %get3A_411 = tpu.vector_load %arg7[%get3A_409, %get3A_410] {strides = array<i32>} : memref<512x64xf32, #tpu.memory_space<vmem>>, vector<1x16xf32>,
        %get3A_412 = vector.shape_cast %get3A_411 : vector<1x16xf32> to vector<16xf32>
        %mul3A_413 = arith.constant 8.000000e+00 : f32
        %mul3A_414 = vector.broadcast %mul3A_413 : f32 to vector<16xf32>
        %mul3A_415 = arith.mulf %get3A_412, %mul3A_414 : vector<16xf32>
        %swap3A_416 = arith.index_cast %add3A_408 : i32 to index
        %swap3A_417 = arith.constant 48 : index
        %swap3A_418 = tpu.vector_load %arg7[%swap3A_416, %swap3A_417] {strides = array<i32>} : memref<512x64xf32, #tpu.memory_space<vmem>>, vector<1x16xf32>,
        %swap3A_419 = vector.shape_cast %swap3A_418 : vector<1x16xf32> to vector<16xf32>
        %swap3A_420 = vector.shape_cast %mul3A_415 : vector<16xf32> to vector<1x16xf32>
        tpu.vector_store %arg7[%swap3A_416, %swap3A_417], %swap3A_420 {strides = array<i32>} : memref<512x64xf32, #tpu.memory_space<vmem>>, vector<1x16xf32>,
        %mul3A_421 = arith.constant 4 : i32
        %mul3A_422 = arith.muli %mul3A_421, %scan3A_230 : i32
        %add3A_423 = arith.constant 3 : i32
        %add3A_424 = arith.addi %mul3A_422, %add3A_423 : i32
        %get3A_425 = arith.index_cast %add3A_424 : i32 to index
        %get3A_426 = arith.constant 0 : index
        %get3A_427 = tpu.vector_load %arg7[%get3A_425, %get3A_426] {strides = array<i32>} : memref<512x64xf32, #tpu.memory_space<vmem>>, vector<1x16xf32>,
        %get3A_428 = vector.shape_cast %get3A_427 : vector<1x16xf32> to vector<16xf32>
        %mul3A_429 = arith.constant 8.000000e+00 : f32
        %mul3A_430 = vector.broadcast %mul3A_429 : f32 to vector<16xf32>
        %mul3A_431 = arith.mulf %get3A_428, %mul3A_430 : vector<16xf32>
        %swap3A_432 = arith.index_cast %add3A_424 : i32 to index
        %swap3A_433 = arith.constant 0 : index
        %swap3A_434 = tpu.vector_load %arg7[%swap3A_432, %swap3A_433] {strides = array<i32>} : memref<512x64xf32, #tpu.memory_space<vmem>>, vector<1x16xf32>,
        %swap3A_435 = vector.shape_cast %swap3A_434 : vector<1x16xf32> to vector<16xf32>
        %swap3A_436 = vector.shape_cast %mul3A_431 : vector<16xf32> to vector<1x16xf32>
        tpu.vector_store %arg7[%swap3A_432, %swap3A_433], %swap3A_436 {strides = array<i32>} : memref<512x64xf32, #tpu.memory_space<vmem>>, vector<1x16xf32>,
        %mul3A_437 = arith.constant 4 : i32
        %mul3A_438 = arith.muli %mul3A_437, %scan3A_230 : i32
        %add3A_439 = arith.constant 3 : i32
        %add3A_440 = arith.addi %mul3A_438, %add3A_439 : i32
        %get3A_441 = arith.index_cast %add3A_440 : i32 to index
        %get3A_442 = arith.constant 16 : index
        %get3A_443 = tpu.vector_load %arg7[%get3A_441, %get3A_442] {strides = array<i32>} : memref<512x64xf32, #tpu.memory_space<vmem>>, vector<1x16xf32>,
        %get3A_444 = vector.shape_cast %get3A_443 : vector<1x16xf32> to vector<16xf32>
        %mul3A_445 = arith.constant 8.000000e+00 : f32
        %mul3A_446 = vector.broadcast %mul3A_445 : f32 to vector<16xf32>
        %mul3A_447 = arith.mulf %get3A_444, %mul3A_446 : vector<16xf32>
        %swap3A_448 = arith.index_cast %add3A_440 : i32 to index
        %swap3A_449 = arith.constant 16 : index
        %swap3A_450 = tpu.vector_load %arg7[%swap3A_448, %swap3A_449] {strides = array<i32>} : memref<512x64xf32, #tpu.memory_space<vmem>>, vector<1x16xf32>,
        %swap3A_451 = vector.shape_cast %swap3A_450 : vector<1x16xf32> to vector<16xf32>
        %swap3A_452 = vector.shape_cast %mul3A_447 : vector<16xf32> to vector<1x16xf32>
        tpu.vector_store %arg7[%swap3A_448, %swap3A_449], %swap3A_452 {strides = array<i32>} : memref<512x64xf32, #tpu.memory_space<vmem>>, vector<1x16xf32>,
        %mul3A_453 = arith.constant 4 : i32
        %mul3A_454 = arith.muli %mul3A_453, %scan3A_230 : i32
        %add3A_455 = arith.constant 3 : i32
        %add3A_456 = arith.addi %mul3A_454, %add3A_455 : i32
        %get3A_457 = arith.index_cast %add3A_456 : i32 to index
        %get3A_458 = arith.constant 32 : index
        %get3A_459 = tpu.vector_load %arg7[%get3A_457, %get3A_458] {strides = array<i32>} : memref<512x64xf32, #tpu.memory_space<vmem>>, vector<1x16xf32>,
        %get3A_460 = vector.shape_cast %get3A_459 : vector<1x16xf32> to vector<16xf32>
        %mul3A_461 = arith.constant 8.000000e+00 : f32
        %mul3A_462 = vector.broadcast %mul3A_461 : f32 to vector<16xf32>
        %mul3A_463 = arith.mulf %get3A_460, %mul3A_462 : vector<16xf32>
        %swap3A_464 = arith.index_cast %add3A_456 : i32 to index
        %swap3A_465 = arith.constant 32 : index
        %swap3A_466 = tpu.vector_load %arg7[%swap3A_464, %swap3A_465] {strides = array<i32>} : memref<512x64xf32, #tpu.memory_space<vmem>>, vector<1x16xf32>,
        %swap3A_467 = vector.shape_cast %swap3A_466 : vector<1x16xf32> to vector<16xf32>
        %swap3A_468 = vector.shape_cast %mul3A_463 : vector<16xf32> to vector<1x16xf32>
        tpu.vector_store %arg7[%swap3A_464, %swap3A_465], %swap3A_468 {strides = array<i32>} : memref<512x64xf32, #tpu.memory_space<vmem>>, vector<1x16xf32>,
        %mul3A_469 = arith.constant 4 : i32
        %mul3A_470 = arith.muli %mul3A_469, %scan3A_230 : i32
        %add3A_471 = arith.constant 3 : i32
        %add3A_472 = arith.addi %mul3A_470, %add3A_471 : i32
        %get3A_473 = arith.index_cast %add3A_472 : i32 to index
        %get3A_474 = arith.constant 48 : index
        %get3A_475 = tpu.vector_load %arg7[%get3A_473, %get3A_474] {strides = array<i32>} : memref<512x64xf32, #tpu.memory_space<vmem>>, vector<1x16xf32>,
        %get3A_476 = vector.shape_cast %get3A_475 : vector<1x16xf32> to vector<16xf32>
        %mul3A_477 = arith.constant 8.000000e+00 : f32
        %mul3A_478 = vector.broadcast %mul3A_477 : f32 to vector<16xf32>
        %mul3A_479 = arith.mulf %get3A_476, %mul3A_478 : vector<16xf32>
        %swap3A_480 = arith.index_cast %add3A_472 : i32 to index
        %swap3A_481 = arith.constant 48 : index
        %swap3A_482 = tpu.vector_load %arg7[%swap3A_480, %swap3A_481] {strides = array<i32>} : memref<512x64xf32, #tpu.memory_space<vmem>>, vector<1x16xf32>,
        %swap3A_483 = vector.shape_cast %swap3A_482 : vector<1x16xf32> to vector<16xf32>
        %swap3A_484 = vector.shape_cast %mul3A_479 : vector<16xf32> to vector<1x16xf32>
        tpu.vector_store %arg7[%swap3A_480, %swap3A_481], %swap3A_484 {strides = array<i32>} : memref<512x64xf32, #tpu.memory_space<vmem>>, vector<1x16xf32>,
      }
      %scan3A_219 = arith.constant 128 : i32
      %mul3A_220 = arith.constant 512 : i32
      %mul3A_221 = arith.muli %add3A_161, %mul3A_220 : i32
      %add3A_222 = arith.addi %mul3A_4, %mul3A_221 : i32
      "tpu.region"() ({
        %run_scoped3A = tpu.sem_alloc : memref<!tpu.dma_semaphore, #tpu.memory_space<semaphore_mem>>
        %dma_start3A_230 = arith.constant 0 : i32
        %dma_start3A_231 = tpu.memref_slice %arg4[%add3A_222, %dma_start3A_230] : memref<327680x64xf32, #tpu.memory_space<hbm>> -> memref<512x64xf32, #tpu.memory_space<hbm>>
        %dma_start3A_232 = arith.constant 0 : i32
        %dma_start3A_233 = tpu.memref_slice %arg4[%add3A_222, %dma_start3A_232] : memref<327680x64xf32, #tpu.memory_space<hbm>> -> memref<512x64xf32, #tpu.memory_space<hbm>>
        tpu.enqueue_dma source(%arg7 : memref<512x64xf32, #tpu.memory_space<vmem>>) target(%dma_start3A_233 : memref<512x64xf32, #tpu.memory_space<hbm>>) target_semaphore(%run_scoped3A : memref<!tpu.dma_semaphore, #tpu.memory_space<semaphore_mem>>)
        %dma_wait3A_234 = arith.constant 0 : i32
        %dma_wait3A_235 = tpu.memref_slice %arg4[%add3A_222, %dma_wait3A_234] : memref<327680x64xf32, #tpu.memory_space<hbm>> -> memref<512x64xf32, #tpu.memory_space<hbm>>
        %dma_wait3A_236 = arith.constant 0 : i32
        %dma_wait3A_237 = tpu.memref_slice %arg4[%add3A_222, %dma_wait3A_236] : memref<327680x64xf32, #tpu.memory_space<hbm>> -> memref<512x64xf32, #tpu.memory_space<hbm>>
        tpu.wait_dma2 semaphore(%run_scoped3A : memref<!tpu.dma_semaphore, #tpu.memory_space<semaphore_mem>>) src(%arg7 : memref<512x64xf32, #tpu.memory_space<vmem>>) dst(%dma_wait3A_237 : memref<512x64xf32, #tpu.memory_space<hbm>>)
        tpu.yield
      }) : () -> ()
      %add3A_223 = arith.constant 2 : i32
      %add3A_224 = arith.addi %add3A_161, %add3A_223 : i32
      %lt3A_225 = arith.constant 20 : i32
      %lt3A_226 = arith.cmpi slt, %add3A_224, %lt3A_225 : i32
      %convert_element_type3A_227 = arith.extui %lt3A_226 : i1 to i32
      %cond3A_228 = arith.constant 0 : i32
      %cond3A_229 = arith.cmpi ne, %convert_element_type3A_227, %cond3A_228 : i32
      scf.if %cond3A_229 {
        %add3A_230 = arith.constant 2 : i32
        %add3A_231 = arith.addi %add3A_161, %add3A_230 : i32
        %mul3A_232 = arith.constant 4 : i32
        %mul3A_233 = arith.muli %add3A_231, %mul3A_232 : i32
        %add3A_234 = arith.constant 0 : i32
        %add3A_235 = arith.addi %mul3A_233, %add3A_234 : i32
        %dma_start3A_236 = arith.constant 0 : i32
        %dma_start3A_237 = arith.constant 0 : i32
        %dma_start3A_238 = tpu.memref_slice %arg7[%dma_start3A_236, %dma_start3A_237] : memref<512x64xf32, #tpu.memory_space<vmem>> -> memref<128x64xf32, #tpu.memory_space<vmem>>
        %dma_start3A_239 = arith.constant 0 : i32
        %dma_start3A_240 = tpu.memref_slice %arg5[%add3A_235, %dma_start3A_239] : memref<80x128xi32, #tpu.memory_space<vmem>> -> memref<1x128xi32, #tpu.memory_space<vmem>>
        %dma_start3A_241 = tpu.memref_squeeze %dma_start3A_240 : memref<1x128xi32, #tpu.memory_space<vmem>> -> memref<128xi32, #tpu.memory_space<vmem>>
        %dma_start3A_242 = arith.constant 0 : i32
        %dma_start3A_243 = arith.constant 0 : i32
        %dma_start3A_244 = tpu.memref_slice %arg3[%dma_start3A_242, %dma_start3A_243] : memref<1000000x64xf32, #tpu.memory_space<hbm>> -> memref<1000000x64xf32, #tpu.memory_space<hbm>>
        tpu.enqueue_indirect_dma source(%dma_start3A_244 : memref<1000000x64xf32, #tpu.memory_space<hbm>>) target(%dma_start3A_238 : memref<128x64xf32, #tpu.memory_space<vmem>>) offsets(%dma_start3A_241 : memref<128xi32, #tpu.memory_space<vmem>>) semaphore(%arg9 : memref<!tpu.dma_semaphore, #tpu.memory_space<semaphore_mem>>)
        %mul3A_245 = arith.constant 4 : i32
        %mul3A_246 = arith.muli %add3A_231, %mul3A_245 : i32
        %add3A_247 = arith.constant 1 : i32
        %add3A_248 = arith.addi %mul3A_246, %add3A_247 : i32
        %dma_start3A_249 = arith.constant 128 : i32
        %dma_start3A_250 = arith.constant 0 : i32
        %dma_start3A_251 = tpu.memref_slice %arg7[%dma_start3A_249, %dma_start3A_250] : memref<512x64xf32, #tpu.memory_space<vmem>> -> memref<128x64xf32, #tpu.memory_space<vmem>>
        %dma_start3A_252 = arith.constant 0 : i32
        %dma_start3A_253 = tpu.memref_slice %arg5[%add3A_248, %dma_start3A_252] : memref<80x128xi32, #tpu.memory_space<vmem>> -> memref<1x128xi32, #tpu.memory_space<vmem>>
        %dma_start3A_254 = tpu.memref_squeeze %dma_start3A_253 : memref<1x128xi32, #tpu.memory_space<vmem>> -> memref<128xi32, #tpu.memory_space<vmem>>
        %dma_start3A_255 = arith.constant 0 : i32
        %dma_start3A_256 = arith.constant 0 : i32
        %dma_start3A_257 = tpu.memref_slice %arg3[%dma_start3A_255, %dma_start3A_256] : memref<1000000x64xf32, #tpu.memory_space<hbm>> -> memref<1000000x64xf32, #tpu.memory_space<hbm>>
        tpu.enqueue_indirect_dma source(%dma_start3A_257 : memref<1000000x64xf32, #tpu.memory_space<hbm>>) target(%dma_start3A_251 : memref<128x64xf32, #tpu.memory_space<vmem>>) offsets(%dma_start3A_254 : memref<128xi32, #tpu.memory_space<vmem>>) semaphore(%arg9 : memref<!tpu.dma_semaphore, #tpu.memory_space<semaphore_mem>>)
        %mul3A_258 = arith.constant 4 : i32
        %mul3A_259 = arith.muli %add3A_231, %mul3A_258 : i32
        %add3A_260 = arith.constant 2 : i32
        %add3A_261 = arith.addi %mul3A_259, %add3A_260 : i32
        %dma_start3A_262 = arith.constant 256 : i32
        %dma_start3A_263 = arith.constant 0 : i32
        %dma_start3A_264 = tpu.memref_slice %arg7[%dma_start3A_262, %dma_start3A_263] : memref<512x64xf32, #tpu.memory_space<vmem>> -> memref<128x64xf32, #tpu.memory_space<vmem>>
        %dma_start3A_265 = arith.constant 0 : i32
        %dma_start3A_266 = tpu.memref_slice %arg5[%add3A_261, %dma_start3A_265] : memref<80x128xi32, #tpu.memory_space<vmem>> -> memref<1x128xi32, #tpu.memory_space<vmem>>
        %dma_start3A_267 = tpu.memref_squeeze %dma_start3A_266 : memref<1x128xi32, #tpu.memory_space<vmem>> -> memref<128xi32, #tpu.memory_space<vmem>>
        %dma_start3A_268 = arith.constant 0 : i32
        %dma_start3A_269 = arith.constant 0 : i32
        %dma_start3A_270 = tpu.memref_slice %arg3[%dma_start3A_268, %dma_start3A_269] : memref<1000000x64xf32, #tpu.memory_space<hbm>> -> memref<1000000x64xf32, #tpu.memory_space<hbm>>
        tpu.enqueue_indirect_dma source(%dma_start3A_270 : memref<1000000x64xf32, #tpu.memory_space<hbm>>) target(%dma_start3A_264 : memref<128x64xf32, #tpu.memory_space<vmem>>) offsets(%dma_start3A_267 : memref<128xi32, #tpu.memory_space<vmem>>) semaphore(%arg9 : memref<!tpu.dma_semaphore, #tpu.memory_space<semaphore_mem>>)
        %mul3A_271 = arith.constant 4 : i32
        %mul3A_272 = arith.muli %add3A_231, %mul3A_271 : i32
        %add3A_273 = arith.constant 3 : i32
        %add3A_274 = arith.addi %mul3A_272, %add3A_273 : i32
        %dma_start3A_275 = arith.constant 384 : i32
        %dma_start3A_276 = arith.constant 0 : i32
        %dma_start3A_277 = tpu.memref_slice %arg7[%dma_start3A_275, %dma_start3A_276] : memref<512x64xf32, #tpu.memory_space<vmem>> -> memref<128x64xf32, #tpu.memory_space<vmem>>
        %dma_start3A_278 = arith.constant 0 : i32
        %dma_start3A_279 = tpu.memref_slice %arg5[%add3A_274, %dma_start3A_278] : memref<80x128xi32, #tpu.memory_space<vmem>> -> memref<1x128xi32, #tpu.memory_space<vmem>>
        %dma_start3A_280 = tpu.memref_squeeze %dma_start3A_279 : memref<1x128xi32, #tpu.memory_space<vmem>> -> memref<128xi32, #tpu.memory_space<vmem>>
        %dma_start3A_281 = arith.constant 0 : i32
        %dma_start3A_282 = arith.constant 0 : i32
        %dma_start3A_283 = tpu.memref_slice %arg3[%dma_start3A_281, %dma_start3A_282] : memref<1000000x64xf32, #tpu.memory_space<hbm>> -> memref<1000000x64xf32, #tpu.memory_space<hbm>>
        tpu.enqueue_indirect_dma source(%dma_start3A_283 : memref<1000000x64xf32, #tpu.memory_space<hbm>>) target(%dma_start3A_277 : memref<128x64xf32, #tpu.memory_space<vmem>>) offsets(%dma_start3A_280 : memref<128xi32, #tpu.memory_space<vmem>>) semaphore(%arg9 : memref<!tpu.dma_semaphore, #tpu.memory_space<semaphore_mem>>)
      } else {
      }
    }
    %scan3A_88 = arith.constant 10 : i32
    return
  }
}

</mosaic_0001>

<sc_bundles>
// kernel: kernel.3.cloned.1.call-start
scs
__scs_entry_jumppad:
0x0: {  	(pc) =	sbr.rel $0x88, $3  }
0x1: {  	(tag) =	ssettag $0x0;
	lr =	simm.s32 $0x1  }
0x2: {  	[smem:$0x3F9F] =	sst lr;
	_ =	strace $0xD0000000  }
0x3: {  	_ = 	snop  }
0x4: {  	_ = 	snop  }
0x5: {  	_ = 	snop  }
0x6: {  	_ = 	snop  }
0x7: {  	_ = 	snop  }
__scs_overlays_trampoline_lowered:
0x8: {  	[smem:$0x3FAE] =	sst s0  }
0x9: {  	[smem:$0x3FAF] =	sst s1  }
0xa: {  	[smem:$0x3FB0] =	sst s2  }
0xb: {  	[smem:$0x3FB1] =	sst s3  }
0xc: {  	[smem:$0x3FB2] =	sst s4  }
0xd: {  	[smem:$0x3FB3] =	sst s5  }
0xe: {  	[smem:$0x3FB4] =	sst s6  }
0xf: {  	[smem:$0x3FB5] =	sst s7  }
0x10: {  	[smem:$0x3FB6] =	sst s8  }
0x11: {  	[smem:$0x3FB7] =	sst s9;
	s0 =	simm.s32 @!p0 $0x0  }
0x12: {  	s1 =	sld [smem:$0x3F9D];
	s0 =	simm.s32 @p0 $0x1  }
0x13: {  	[smem:$0x3FB8] =	sst s0;
	s0 =	simm.s32 @!p1 $0x0  }
0x14: {  	s2 =	sld [smem:$0x3F9C];
	s0 =	simm.s32 @p1 $0x1  }
0x15: {  	[smem:$0x3FB9] =	sst s0;
	s0 =	simm.s32 @!p2 $0x0  }
0x16: {  	s3 =	sld [smem:$0x3FDB];
	s0 =	simm.s32 @p2 $0x1  }
0x17: {  	s4 =	simm.s32 $0x1BF5;
	[smem:$0x3FBB] =	sst s0  }
0x18: {  	s0 =	sld [smem:$0x3F9E];
	_ =	swait.ge [sflag:s4], $0x0  }
0x19: {  	s7 =	sld [smem:$0x3F9F]  }
0x1a: {  	s8 =	sadd.s32 $0xFFFFE003, lr  }
0x1b: {  	s9 =	sadd.s32 $0xFFFFFEF7, lr;
	s5 =	simm.s32 $0xFFFFFFFF;
	p2 =	slt.u32 s8, $0xFFFFF086  }
0x1c: {  	p1 =	slt.u32 s9, $0xF7A;
	s5 =	simm.s32 @!p2 $0x0  }
0x1d: {  	s5 =	simm.s32 @p1 $0x1;
	p0 =	seq.s32 s7, s2  }
0x1e: {  	s7 =	smul.u32 @!p0 $0xF7A, s2;
	p2 =	seq.s32 @!p0 s5, $0x0  }
0x1f: {  	s9 =	smul.u32 $0xF7A, s1;
	s8 =	simm.s32 @!p0 $0x1BF5;
	p2 =	por !p2, p0  }
0x20: {  	[sflag:s8] =	ssyncset.s32 @!p0 $0xFFFFF086;
	s6 =	sadd.s32 @!p0 s3, s7;
	s7 =	simm.s32 @!p0 $0x108  }
0x21: {  	s3 =	sadd.s32 s3, s9;
	s6 =	sadd.s32 @!p0 $0x88, s6;
	s7 =	simm.s32 @p2 $0x1082  }
0x22: {  	[simem:s7], [sflag:s8] =	dma.local @!p0 [hbm:s6], $0xF7A  }
0x23: {  	s9 =	sor.u32 $0xD0000000, s2;
	s6 =	simm.s32 $0x108;
	_ =	swait.ge @!p0 [sflag:s8], $0x0  }
0x24: {  	s3 =	sadd.s32 $0x88, s3;
	s6 =	simm.s32 @!p1 $0x1082;
	[sflag:s4] =	ssyncset.s32 $0xFFFFF086  }
0x25: {  	[simem:s6], [sflag:s4] =	dma.local [hbm:s3], $0xF7A  }
0x26: {  	[smem:$0x3F9F] =	sst s1;
	(tag) =	ssettag s2;
	_ =	strace s9  }
0x27: {  	s1 =	sld [smem:$0x3FAF]  }
0x28: {  	s2 =	sld [smem:$0x3FB0]  }
0x29: {  	s4 =	sld [smem:$0x3FB2]  }
0x2a: {  	p0 =	seq.s32 s5, $0x0;
	s5 =	sld [smem:$0x3FB3]  }
0x2b: {  	s6 =	sld [smem:$0x3FB4]  }
0x2c: {  	s7 =	sld [smem:$0x3FB5]  }
0x2d: {  	s3 =	simm.s32 $0x108;
	s8 =	sld [smem:$0x3FB6]  }
0x2e: {  	s3 =	simm.s32 @!p0 $0x1082;
	s9 =	sld [smem:$0x3FB7]  }
0x2f: {  	lr =	sadd.s32 s0, s3;
	s0 =	sld [smem:$0x3FAE]  }
0x30: {  	s3 =	sld [smem:$0x3FB1]  }
0x31: {  	[smem:$0x3FBA] =	sst s10  }
0x32: {  	s10 =	sld [smem:$0x3FB8];
	_ =	sdelay $0x3  }
0x33: {  	p0 =	seq.s32 s10, $0x1;
	s10 =	sld [smem:$0x3FBA];
	_ =	sdelay $0x3  }
0x34: {  	[smem:$0x3FBA] =	sst s10  }
0x35: {  	s10 =	sld [smem:$0x3FB9];
	_ =	sdelay $0x3  }
0x36: {  	p1 =	seq.s32 s10, $0x1;
	s10 =	sld [smem:$0x3FBA];
	_ =	sdelay $0x3  }
0x37: {  	[smem:$0x3FBA] =	sst s10  }
0x38: {  	s10 =	sld [smem:$0x3FBB]  }
0x39: {  	_ = 	snop;
	(pc) =	sbr.ind lr, $3  }
0x3a: {  	_ = 	snop  }
0x3b: {  	_ = 	snop  }
0x3c: {  	p2 =	seq.s32 s10, $0x1;
	s10 =	sld [smem:$0x3FBA]  }
0x3d: {  	_ =	shalt  }
0x3e: {  	_ =	shalt  }
0x3f: {  	_ =	shalt  }
0x40: {  	_ =	shalt  }
0x41: {  	_ =	shalt  }
0x42: {  	_ =	shalt  }
0x43: {  	_ =	shalt  }
0x44: {  	_ =	shalt  }
0x45: {  	_ =	shalt  }
0x46: {  	_ =	shalt  }
0x47: {  	_ =	shalt  }
0x48: {  	_ =	shalt  }
0x49: {  	_ =	shalt  }
0x4a: {  	_ =	shalt  }
0x4b: {  	_ =	shalt  }
0x4c: {  	_ =	shalt  }
0x4d: {  	_ =	shalt  }
0x4e: {  	_ =	shalt  }
0x4f: {  	_ =	shalt  }
0x50: {  	_ =	shalt  }
0x51: {  	_ =	shalt  }
0x52: {  	_ =	shalt  }
0x53: {  	_ =	shalt  }
0x54: {  	_ =	shalt  }
0x55: {  	_ =	shalt  }
0x56: {  	_ =	shalt  }
0x57: {  	_ =	shalt  }
0x58: {  	_ =	shalt  }
0x59: {  	_ =	shalt  }
0x5a: {  	_ =	shalt  }
0x5b: {  	_ =	shalt  }
0x5c: {  	_ =	shalt  }
0x5d: {  	_ =	shalt  }
0x5e: {  	_ =	shalt  }
0x5f: {  	_ =	shalt  }
0x60: {  	_ =	shalt  }
0x61: {  	_ =	shalt  }
0x62: {  	_ =	shalt  }
0x63: {  	_ =	shalt  }
0x64: {  	_ =	shalt  }
0x65: {  	_ =	shalt  }
0x66: {  	_ =	shalt  }
0x67: {  	_ =	shalt  }
0x68: {  	_ =	shalt  }
0x69: {  	_ =	shalt  }
0x6a: {  	_ =	shalt  }
0x6b: {  	_ =	shalt  }
0x6c: {  	_ =	shalt  }
0x6d: {  	_ =	shalt  }
0x6e: {  	_ =	shalt  }
0x6f: {  	_ =	shalt  }
0x70: {  	_ =	shalt  }
0x71: {  	_ =	shalt  }
0x72: {  	_ =	shalt  }
0x73: {  	_ =	shalt  }
0x74: {  	_ =	shalt  }
0x75: {  	_ =	shalt  }
0x76: {  	_ =	shalt  }
0x77: {  	_ =	shalt  }
0x78: {  	_ =	shalt  }
0x79: {  	_ =	shalt  }
0x7a: {  	_ =	shalt  }
0x7b: {  	_ =	shalt  }
0x7c: {  	_ =	shalt  }
0x7d: {  	_ =	shalt  }
0x7e: {  	_ =	shalt  }
0x7f: {  	_ =	shalt  }
0x80: {  	_ =	shalt  }
0x81: {  	_ =	shalt  }
0x82: {  	_ =	shalt  }
0x83: {  	_ =	shalt  }
0x84: {  	_ =	shalt  }
0x85: {  	_ =	shalt  }
0x86: {  	_ =	shalt  }
0x87: {  	_ =	shalt  }
.Lfunc_end0:
.L_simem_size_0:
called_computation.1_lowered:
.L_overlay_start_0:
0x88: {  	s2 =	sld [smem:$0x3FD9]  }
0x89: {  	s3 =	sld [smem:$0x3FFE];
	_ =	sdelay $0x1  }
0x8a: {  	s1 =	srdreg.scid  }
0x8b: {  	s0 =	sand.u32 $0x1, s1  }
0x8c: {  	s17 =	sshll.u32 s0, $0xA;
	s2 =	sadd.s32 s3, s2  }
0x8d: {  	s2 =	sadd.s32 s2, s17  }
0x8e: {  	[smem:$0x3FC6] =	sst s2  }
0x8f: {  	_ = 	snop  }
0x90: {  	s2 =	sld [smem:$0x3FD0];
	(tm) =	ssettm $0x1  }
0x91: {  	s18 =	sld [smem:$0x3FFB];
	_ =	sdelay $0x3  }
0x92: {  	_ =	strace s18  }
0x93: {  	s3 =	sld [smem:$0x3FFC];
	_ =	sdelay $0x3  }
0x94: {  	_ =	strace s3  }
0x95: {  	s3 =	sld [smem:$0x3FFD];
	_ =	sdelay $0x3  }
0x96: {  	_ =	strace s3  }
0x97: {  	_ =	strace $0x8FFFFFFF  }
0x98: {  	s19 =	sld [smem:$0x3FDB];
	_ =	sdelay $0x1  }
0x99: {  	s4 =	simm.s32 $_scs_section_size  }
0x9a: {  	s5 =	simm.s32 $_size__tile_overlayer_lowered;
	s6 =	simm.s32 $_tile_overlayer_lowered  }
0x9b: {  	s22 =	simm.s32 $0x1BFF;
	s21 =	sshll.u32 s6, $0x1;
	s3 =	sadd.s32 s4, s19  }
0x9c: {  	s7 =	simm.s32 $0x0;
	s20 =	sshll.u32 s5, $0x1;
	s5 =	sadd.s32 s21, s3  }
0x9d: {  	[timem:s7], [sflag:s22] =	dma.local [hbm:s5], s20  }
0x9e: {  	_ =	swait.ge [sflag:s22], s20  }
0x9f: {  	s4 =	ssub.s32 $0x0, s20;
	[sflag:s22] =	ssyncset.done $0x0  }
0xa0: {  	[sflag:s22] =	ssyncadd.s32 s4;
	_ =	sdelay $0x1  }
0xa1: {  	s23 =	simm.s32 $0x1B8B  }
0xa2: {  	_ =	swait.ge [sflag:s23], $0x1  }
0xa3: {  	[sflag:s23] =	ssyncset.done $0x0  }
0xa4: {  	s25 =	simm.s32 $0x1B8E;
	s24 =	sld [smem:$0x3FFE];
	[sflag:s23] =	ssyncadd.s32 $0xFFFFFFFF  }
0xa5: {  	s26 =	simm.s32 $execute0_lowered;
	[smem:$0x3FD2] =	sst s25  }
0xa6: {  	s5 =	sshll.u32 s26, $0x1;
	_ =	strace $0x80000046;
	[dreg:$0x1] =	wrdreg $0xFFFFFFFF  }
0xa7: {  	s28 =	simm.s32 $_size_execute0_lowered;
	s3 =	sadd.s32 s3, s5;
	[dreg:$0x0] =	wrdreg $0x0  }
0xa8: {  	s5 =	sshll.u32 s28, $0x1;
	[dreg:$0x2] =	wrdreg s3  }
0xa9: {  	[dreg:$0x3] =	wrdreg s5  }
0xaa: {  	[dreg:$0x4] =	wrdreg $0xC0  }
0xab: {  	_ =	task [dreg:s7], $0x5FFFF  }
0xac: {  	[dreg:$0x1] =	wrdreg $0xFFFFFFFF  }
0xad: {  	[dreg:$0x0] =	wrdreg $0x60  }
0xae: {  	[dreg:$0x2] =	wrdreg s24  }
0xaf: {  	[dreg:$0x3] =	wrdreg s2  }
0xb0: {  	[dreg:$0x4] =	wrdreg $0x9  }
0xb1: {  	_ =	task.clear_ibuf [dreg:s7], $0x5FFFF;
	_ =	strace $0x90000046  }
0xb2: {  	s29 =	simm.s32 $0x9;
	_ =	strace $0x80000048  }
0xb3: {  	_ =	swait.ge [sflag:s29], $0x1  }
0xb4: {  	[sflag:s29] =	ssyncadd.s32 $0xFFFFFFFF  }
0xb5: {  	_ =	strace $0x90000048  }
0xb6: {  	_ =	sfence  }
0xb7: {  	s30 =	sld [smem:$0x0];
	_ =	sdelay $0x2  }
0xb8: {  	s31 =	sshll.u32 s1, $0xD;
	s1 =	sshrl.u32 s1, $0x2  }
0xb9: {  	s3 =	sand.u32 $0x4000, s31;
	s1 =	sadd.s32 s1, s30  }
0xba: {  	s0 =	sor.u32 s3, s0;
	s1 =	sshll.u32 s1, $0x11  }
0xbb: {  	s0 =	sor.u32 s1, s0  }
0xbc: {  	s0 =	sadd.s32 $0x8F2B, s0  }
0xbd: {  	[sflag:s0] =	ssyncadd.remote.s32 $0x1  }
0xbe: {  	_ =	sfence.sel $0xFFFF  }
0xbf: {  	[dreg:$0x0] =	wrdreg $0xFFFFFFFF;
	(pc) =	sbr.abs _section_cstart, $3  }
0xc0: {  	[dreg:$0x1] =	wrdreg $0xFFFFFFFF  }
0xc1: {  	_ =	task.clear_ibuf [dreg:s7], $0x2FFFF;
	_ =	strace $0x9FFFFFFF  }
0xc2: {  	(tm) =	ssettm $0x7FFFFFFF  }
0xc3: {  	_ =	shalt  }
tec
execute0_lowered:
.L_overlay_start_1:
0x0: {  	(tag) =	ssettag $0x1  }
0x1: {  	s1 =	rddreg [dreg:$0x0];
	s3 =	srdreg.scid  }
0x2: {  	s0 =	stileid.u32;
	s2 =	rddreg [dreg:$0x1];
	s10 =	simm.s32 $0x80  }
0x3: {  	s11 =	simm.s32 $0x2800;
	s13 =	simm.s32 $0x100;
	s14 =	simm.s32 $0x6800  }
0x4: {  	s15 =	simm.s32 $0x180;
	s16 =	simm.s32 $0x8800;
	s17 =	simm.s32 $0x200  }
0x5: {  	s18 =	simm.s32 $0xA800;
	s19 =	simm.s32 $0x280;
	s20 =	simm.s32 $0xC800  }
0x6: {  	s21 =	simm.s32 $0x300;
	s22 =	simm.s32 $0xE800;
	s23 =	simm.s32 $0x380  }
0x7: {  	s24 =	simm.s32 $0x10800;
	s4 =	sand.u32 $0x1, s3;
	s5 =	sshll.u32 s0, $0x1  }
0x8: {  	s25 =	simm.s32 $0x1;
	s26 =	simm.s32 $0x2;
	s6 =	sor.u32 s4, s5  }
0x9: {  	s28 =	simm.s32 $0x0;
	s3 =	simm.s32 $0x0;
	s5 =	smul.u32 $0x500, s6  }
.Ltmp0:
0xa: {  	[smem:$0x7FF] =	sst s3;
	s7 =	ssub.s32 $0x2, s4;
	(pc) =	sbr.rel .LBB2_1-.Ltmp0, $4  }
0xb: {  	s4 =	sadd.s32 $0xF42E00, s1;
	s8 =	sshrl.u32 s7, $0x1;
	s9 =	smul.u32 $0x14000, s6  }
0xc: {  	_ =	strace $0x80000047;
	s6 =	smul.u32 $0xA0000, s6;
	s30 =	ssub.s32 s7, s8  }
0xd: {  	s5 =	sadd.s32 s5, s1;
	s31 =	sadd.s32 s9, s2;
	s7 =	smax.u32 s30, $0x1  }
0xe: {  	s9 =	simm.s32 $0x3;
	s5 =	sadd.s32 $0xA00, s5;
	s8 =	sadd.s32 $0x1000, s31  }
.LBB2_8:
0xf: {  	s28 =	sadd.s32 $0x1, s28  }
0x10: {  	p0 =	sne.s32 s28, s7  }
.Ltmp1:
0x11: {  	_ = 	snop;
	(pc) =	sbr.rel @!p0 .LBB2_9-.Ltmp1, $1  }
0x12: {  	_ =	sdelay $0x3  }
.LBB2_1:
0x13: {  	[tilespmem:s3], [sflag:$0x3] =	stream.linear.gather [hbm4b:s5+s3], $0x2800, $0x38;
	[tilespmem:$0x12800] =	vst v63  }
0x14: {  	_ =	swait.ge [sflag:s9], $0x2800  }
0x15: {  	[sflag:s9] =	ssyncset.done $0x0  }
0x16: {  	[sflag:s9] =	ssyncadd.s32 $0xFFFFD800  }
0x17: {  	[tilespmem:s11], [sflag:$0x1] =	stream.indirect.gather [hbm4b:s4+s10], $0x40, s3, s10, $0xb8;
	[tilespmem:$0x12800] =	vst v63  }
0x18: {  	s0 =	simm.s32 $0x4800  }
0x19: {  	[tilespmem:s0], [sflag:$0x1] =	stream.indirect.gather [hbm4b:s4+s10], $0x40, s10, s10, $0xb8;
	[tilespmem:$0x12800] =	vst v63  }
0x1a: {  	_ = 	snop  }
0x1b: {  	[tilespmem:s14], [sflag:$0x1] =	stream.indirect.gather [hbm4b:s4+s10], $0x40, s13, s10, $0xb8;
	[tilespmem:$0x12800] =	vst v63  }
0x1c: {  	_ = 	snop  }
0x1d: {  	[tilespmem:s16], [sflag:$0x1] =	stream.indirect.gather [hbm4b:s4+s10], $0x40, s15, s10, $0xb8;
	[tilespmem:$0x12800] =	vst v63  }
0x1e: {  	_ = 	snop  }
0x1f: {  	[tilespmem:s18], [sflag:$0x2] =	stream.indirect.gather [hbm4b:s4+s10], $0x40, s17, s10, $0xb8;
	[tilespmem:$0x12800] =	vst v63  }
0x20: {  	_ = 	snop  }
0x21: {  	[tilespmem:s20], [sflag:$0x2] =	stream.indirect.gather [hbm4b:s4+s10], $0x40, s19, s10, $0xb8;
	[tilespmem:$0x12800] =	vst v63  }
0x22: {  	_ = 	snop  }
0x23: {  	[tilespmem:s22], [sflag:$0x2] =	stream.indirect.gather [hbm4b:s4+s10], $0x40, s21, s10, $0xb8;
	[tilespmem:$0x12800] =	vst v63  }
0x24: {  	s29 =	simm.s32 $0x0  }
0x25: {  	[tilespmem:s24], [sflag:$0x2] =	stream.indirect.gather [hbm4b:s4+s10], $0x40, s23, s10, $0xb8;
	[tilespmem:$0x12800] =	vst v63  }
.LBB2_2:
0x26: {  	_ =	swait.ge [sflag:s25], $0x2000  }
0x27: {  	[sflag:s25] =	ssyncset.done $0x0  }
0x28: {  	[sflag:s25] =	ssyncadd.s32 $0xFFFFE000  }
0x29: {  	_ =	swait.ge [sflag:s25], $0x2000  }
0x2a: {  	[sflag:s25] =	ssyncset.done $0x0  }
0x2b: {  	[sflag:s25] =	ssyncadd.s32 $0xFFFFE000  }
0x2c: {  	_ =	swait.ge [sflag:s25], $0x2000  }
0x2d: {  	[sflag:s25] =	ssyncset.done $0x0  }
0x2e: {  	[sflag:s25] =	ssyncadd.s32 $0xFFFFE000  }
0x2f: {  	_ =	swait.ge [sflag:s25], $0x2000  }
0x30: {  	[sflag:s25] =	ssyncset.done $0x0  }
0x31: {  	s30 =	simm.s32 $0x0;
	[sflag:s25] =	ssyncadd.s32 $0xFFFFE000  }
0x32: {  	v0 =	vld [tilespmem:s30+$0x2800]  }
0x33: {  	v1 =	vld [tilespmem:s30+$0x2810]  }
0x34: {  	v2 =	vld [tilespmem:s30+$0x2820]  }
0x35: {  	v3 =	vld [tilespmem:s30+$0x2830]  }
0x36: {  	v4 =	vld [tilespmem:s30+$0x2840]  }
0x37: {  	v5 =	vld [tilespmem:s30+$0x2850];
	v0 =	vmul.f32 $8.000000000e+00, v0  }
0x38: {  	v6 =	vld [tilespmem:s30+$0x2860];
	v1 =	vmul.f32 $8.000000000e+00, v1  }
0x39: {  	v7 =	vld [tilespmem:s30+$0x2870];
	[tilespmem:s30+$0x2800] =	vst v0;
	v0 =	vmul.f32 $8.000000000e+00, v2  }
0x3a: {  	v8 =	vld [tilespmem:s30+$0x2880];
	[tilespmem:s30+$0x2810] =	vst v1;
	v1 =	vmul.f32 $8.000000000e+00, v3  }
0x3b: {  	v9 =	vld [tilespmem:s30+$0x2890];
	[tilespmem:s30+$0x2820] =	vst v0;
	v0 =	vmul.f32 $8.000000000e+00, v4  }
0x3c: {  	v2 =	vmul.f32 $8.000000000e+00, v5;
	[tilespmem:s30+$0x2830] =	vst v1;
	v1 =	vld [tilespmem:s30+$0x28A0]  }
0x3d: {  	v3 =	vmul.f32 $8.000000000e+00, v6;
	[tilespmem:s30+$0x2840] =	vst v0;
	v0 =	vld [tilespmem:s30+$0x28B0]  }
0x3e: {  	[tilespmem:s30+$0x2850] =	vst v2;
	v2 =	vld [tilespmem:s30+$0x28C0];
	v4 =	vmul.f32 $8.000000000e+00, v7  }
0x3f: {  	v6 =	vmul.f32 $8.000000000e+00, v8;
	[tilespmem:s30+$0x2860] =	vst v3;
	v3 =	vld [tilespmem:s30+$0x28D0]  }
0x40: {  	s31 =	simm.s32 $0x400;
	v5 =	vmul.f32 $8.000000000e+00, v9;
	[tilespmem:s30+$0x2870] =	vst v4;
	v4 =	vld [tilespmem:s30+$0x28E0]  }
.LBB2_3:
0x41: {  	s1 =	sshra.s32 s31, $0x2;
	p0 =	sne.s32 s31, $0x1FC00;
	[tilespmem:s30+$0x2880] =	vst v6;
	v1 =	vmul.f32 $8.000000000e+00, v1;
	v6 =	vld [tilespmem:s30+$0x28F0]  }
0x42: {  	v7 =	vld [tilespmem:s1+$0x2800];
	[tilespmem:s30+$0x2890] =	vst v5;
	v0 =	vmul.f32 $8.000000000e+00, v0  }
0x43: {  	v5 =	vld [tilespmem:s1+$0x2810];
	[tilespmem:s30+$0x28A0] =	vst v1;
	v1 =	vmul.f32 $8.000000000e+00, v2  }
0x44: {  	v2 =	vld [tilespmem:s1+$0x2820];
	[tilespmem:s30+$0x28B0] =	vst v0;
	v0 =	vmul.f32 $8.000000000e+00, v3  }
0x45: {  	v3 =	vld [tilespmem:s1+$0x2830];
	[tilespmem:s30+$0x28C0] =	vst v1;
	v1 =	vmul.f32 $8.000000000e+00, v4  }
0x46: {  	v4 =	vld [tilespmem:s1+$0x2840];
	[tilespmem:s30+$0x28D0] =	vst v0;
	v0 =	vmul.f32 $8.000000000e+00, v6  }
0x47: {  	v6 =	vmul.f32 $8.000000000e+00, v7;
	v7 =	vld [tilespmem:s1+$0x2850];
	[tilespmem:s30+$0x28E0] =	vst v1  }
0x48: {  	v1 =	vmul.f32 $8.000000000e+00, v5;
	v5 =	vld [tilespmem:s1+$0x2860];
	[tilespmem:s30+$0x28F0] =	vst v0;
	s30 =	smov.u32 s1  }
0x49: {  	[tilespmem:s30+$0x2800] =	vst v6;
	v0 =	vmul.f32 $8.000000000e+00, v2;
	v2 =	vld [tilespmem:s30+$0x2870]  }
0x4a: {  	[tilespmem:s30+$0x2810] =	vst v1;
	v1 =	vmul.f32 $8.000000000e+00, v3;
	v3 =	vld [tilespmem:s30+$0x2880]  }
0x4b: {  	[tilespmem:s30+$0x2820] =	vst v0;
	v0 =	vmul.f32 $8.000000000e+00, v4;
	v4 =	vld [tilespmem:s30+$0x2890]  }
.Ltmp2:
0x4c: {  	[tilespmem:s30+$0x2830] =	vst v1;
	v6 =	vmul.f32 $8.000000000e+00, v7;
	v1 =	vld [tilespmem:s30+$0x28A0];
	(pc) =	sbr.rel @p0 .LBB2_3-.Ltmp2, $4  }
0x4d: {  	[tilespmem:s30+$0x2840] =	vst v0;
	v5 =	vmul.f32 $8.000000000e+00, v5;
	v0 =	vld [tilespmem:s30+$0x28B0]  }
0x4e: {  	[tilespmem:s30+$0x2850] =	vst v6;
	v7 =	vmul.f32 $8.000000000e+00, v2;
	v2 =	vld [tilespmem:s30+$0x28C0]  }
0x4f: {  	[tilespmem:s30+$0x2860] =	vst v5;
	v6 =	vmul.f32 $8.000000000e+00, v3;
	v3 =	vld [tilespmem:s30+$0x28D0]  }
0x50: {  	s31 =	sadd.s32 $0x400, s31;
	[tilespmem:s30+$0x2870] =	vst v7;
	v5 =	vmul.f32 $8.000000000e+00, v4;
	v4 =	vld [tilespmem:s30+$0x28E0]  }
0x51: {  	[tilespmem:s30+$0x2880] =	vst v6;
	v1 =	vmul.f32 $8.000000000e+00, v1;
	v6 =	vld [tilespmem:s30+$0x28F0]  }
0x52: {  	[tilespmem:s30+$0x2890] =	vst v5;
	v0 =	vmul.f32 $8.000000000e+00, v0  }
0x53: {  	[tilespmem:s30+$0x28A0] =	vst v1;
	v1 =	vmul.f32 $8.000000000e+00, v2  }
0x54: {  	[tilespmem:s30+$0x28B0] =	vst v0;
	v0 =	vmul.f32 $8.000000000e+00, v3  }
0x55: {  	s1 =	sshll.u32 s29, $0x10;
	[tilespmem:s30+$0x28C0] =	vst v1;
	v1 =	vmul.f32 $8.000000000e+00, v4  }
0x56: {  	s1 =	sadd.s32 s6, s1;
	[tilespmem:s30+$0x28D0] =	vst v0;
	v0 =	vmul.f32 $8.000000000e+00, v6  }
0x57: {  	s1 =	sshrl.u32 s1, $0x3;
	[tilespmem:s30+$0x28E0] =	vst v1  }
0x58: {  	s1 =	sadd.s32 s2, s1;
	[tilespmem:s30+$0x28F0] =	vst v0  }
0x59: {  	[hbm4b:s1+s3] =	stream.linear.scatter [tilespmem:s11], [sflag:$0x3], $0x8000, $0x38;
	[tilespmem:$0x12800] =	vst v63  }
0x5a: {  	p0 =	seq.s32 s29, $0x9;
	s30 =	sshll.u32 s29, $0xC;
	_ =	swait.ge [sflag:s9], $0x8000  }
0x5b: {  	s0 =	simm.s32 @!p0 $0x80;
	s1 =	sshrl.u32 @!p0 s30, $0x2;
	[sflag:s9] =	ssyncset.done $0x0  }
0x5c: {  	s12 =	simm.s32 @!p0 $0x2800;
	s31 =	sadd.s32 @!p0 $0x400, s1;
	[sflag:s9] =	ssyncadd.s32 $0xFFFF8000  }
0x5d: {  	[tilespmem:s12], [sflag:$0x1] =	stream.indirect.gather @!p0 [hbm4b:s4+s0], $0x40, s31, s0, $0xb8;
	[tilespmem:$0x12800] =	vst v63  }
0x5e: {  	s12 =	sadd.s32 @!p0 $0x480, s1;
	s31 =	simm.s32 @!p0 $0x4800  }
0x5f: {  	[tilespmem:s31], [sflag:$0x1] =	stream.indirect.gather @!p0 [hbm4b:s4+s0], $0x40, s12, s0, $0xb8;
	[tilespmem:$0x12800] =	vst v63  }
0x60: {  	s12 =	sadd.s32 @!p0 $0x500, s1;
	s31 =	simm.s32 @!p0 $0x6800  }
0x61: {  	[tilespmem:s31], [sflag:$0x1] =	stream.indirect.gather @!p0 [hbm4b:s4+s0], $0x40, s12, s0, $0xb8;
	[tilespmem:$0x12800] =	vst v63  }
0x62: {  	s1 =	sadd.s32 @!p0 $0x580, s1;
	s12 =	simm.s32 @!p0 $0x8800  }
0x63: {  	[tilespmem:s12], [sflag:$0x1] =	stream.indirect.gather @!p0 [hbm4b:s4+s0], $0x40, s1, s0, $0xb8;
	[tilespmem:$0x12800] =	vst v63  }
0x64: {  	_ =	swait.ge [sflag:s26], $0x2000  }
0x65: {  	[sflag:s26] =	ssyncset.done $0x0  }
0x66: {  	[sflag:s26] =	ssyncadd.s32 $0xFFFFE000  }
0x67: {  	_ =	swait.ge [sflag:s26], $0x2000  }
0x68: {  	[sflag:s26] =	ssyncset.done $0x0  }
0x69: {  	[sflag:s26] =	ssyncadd.s32 $0xFFFFE000  }
0x6a: {  	_ =	swait.ge [sflag:s26], $0x2000  }
0x6b: {  	[sflag:s26] =	ssyncset.done $0x0  }
0x6c: {  	[sflag:s26] =	ssyncadd.s32 $0xFFFFE000  }
0x6d: {  	_ =	swait.ge [sflag:s26], $0x2000  }
0x6e: {  	[sflag:s26] =	ssyncset.done $0x0  }
0x6f: {  	s31 =	simm.s32 $0x0;
	[sflag:s26] =	ssyncadd.s32 $0xFFFFE000  }
0x70: {  	v0 =	vld [tilespmem:s31+$0xA800]  }
0x71: {  	v1 =	vld [tilespmem:s31+$0xA810]  }
0x72: {  	v2 =	vld [tilespmem:s31+$0xA820]  }
0x73: {  	v3 =	vld [tilespmem:s31+$0xA830]  }
0x74: {  	v4 =	vld [tilespmem:s31+$0xA840]  }
0x75: {  	v5 =	vld [tilespmem:s31+$0xA850];
	v0 =	vmul.f32 $8.000000000e+00, v0  }
0x76: {  	v6 =	vld [tilespmem:s31+$0xA860];
	v1 =	vmul.f32 $8.000000000e+00, v1  }
0x77: {  	v7 =	vld [tilespmem:s31+$0xA870];
	[tilespmem:s31+$0xA800] =	vst v0;
	v0 =	vmul.f32 $8.000000000e+00, v2  }
0x78: {  	v8 =	vld [tilespmem:s31+$0xA880];
	[tilespmem:s31+$0xA810] =	vst v1;
	v1 =	vmul.f32 $8.000000000e+00, v3  }
0x79: {  	v9 =	vld [tilespmem:s31+$0xA890];
	[tilespmem:s31+$0xA820] =	vst v0;
	v0 =	vmul.f32 $8.000000000e+00, v4  }
0x7a: {  	v2 =	vmul.f32 $8.000000000e+00, v5;
	[tilespmem:s31+$0xA830] =	vst v1;
	v1 =	vld [tilespmem:s31+$0xA8A0]  }
0x7b: {  	v3 =	vmul.f32 $8.000000000e+00, v6;
	[tilespmem:s31+$0xA840] =	vst v0;
	v0 =	vld [tilespmem:s31+$0xA8B0]  }
0x7c: {  	[tilespmem:s31+$0xA850] =	vst v2;
	v2 =	vld [tilespmem:s31+$0xA8C0];
	v4 =	vmul.f32 $8.000000000e+00, v7  }
0x7d: {  	v6 =	vmul.f32 $8.000000000e+00, v8;
	[tilespmem:s31+$0xA860] =	vst v3;
	v3 =	vld [tilespmem:s31+$0xA8D0]  }
0x7e: {  	s1 =	simm.s32 $0x400;
	v5 =	vmul.f32 $8.000000000e+00, v9;
	[tilespmem:s31+$0xA870] =	vst v4;
	v4 =	vld [tilespmem:s31+$0xA8E0]  }
.LBB2_5:
0x7f: {  	s0 =	sshra.s32 s1, $0x2;
	p1 =	sne.s32 s1, $0x1FC00;
	[tilespmem:s31+$0xA880] =	vst v6;
	v1 =	vmul.f32 $8.000000000e+00, v1;
	v6 =	vld [tilespmem:s31+$0xA8F0]  }
0x80: {  	v7 =	vld [tilespmem:s0+$0xA800];
	[tilespmem:s31+$0xA890] =	vst v5;
	v0 =	vmul.f32 $8.000000000e+00, v0  }
0x81: {  	v5 =	vld [tilespmem:s0+$0xA810];
	[tilespmem:s31+$0xA8A0] =	vst v1;
	v1 =	vmul.f32 $8.000000000e+00, v2  }
0x82: {  	v2 =	vld [tilespmem:s0+$0xA820];
	[tilespmem:s31+$0xA8B0] =	vst v0;
	v0 =	vmul.f32 $8.000000000e+00, v3  }
0x83: {  	v3 =	vld [tilespmem:s0+$0xA830];
	[tilespmem:s31+$0xA8C0] =	vst v1;
	v1 =	vmul.f32 $8.000000000e+00, v4  }
0x84: {  	v4 =	vld [tilespmem:s0+$0xA840];
	[tilespmem:s31+$0xA8D0] =	vst v0;
	v0 =	vmul.f32 $8.000000000e+00, v6  }
0x85: {  	v6 =	vmul.f32 $8.000000000e+00, v7;
	v7 =	vld [tilespmem:s0+$0xA850];
	[tilespmem:s31+$0xA8E0] =	vst v1  }
0x86: {  	v1 =	vmul.f32 $8.000000000e+00, v5;
	v5 =	vld [tilespmem:s0+$0xA860];
	[tilespmem:s31+$0xA8F0] =	vst v0;
	s31 =	smov.u32 s0  }
0x87: {  	[tilespmem:s31+$0xA800] =	vst v6;
	v0 =	vmul.f32 $8.000000000e+00, v2;
	v2 =	vld [tilespmem:s31+$0xA870]  }
0x88: {  	[tilespmem:s31+$0xA810] =	vst v1;
	v1 =	vmul.f32 $8.000000000e+00, v3;
	v3 =	vld [tilespmem:s31+$0xA880]  }
0x89: {  	[tilespmem:s31+$0xA820] =	vst v0;
	v0 =	vmul.f32 $8.000000000e+00, v4;
	v4 =	vld [tilespmem:s31+$0xA890]  }
.Ltmp3:
0x8a: {  	[tilespmem:s31+$0xA830] =	vst v1;
	v6 =	vmul.f32 $8.000000000e+00, v7;
	v1 =	vld [tilespmem:s31+$0xA8A0];
	(pc) =	sbr.rel @p1 .LBB2_5-.Ltmp3, $4  }
0x8b: {  	[tilespmem:s31+$0xA840] =	vst v0;
	v5 =	vmul.f32 $8.000000000e+00, v5;
	v0 =	vld [tilespmem:s31+$0xA8B0]  }
0x8c: {  	[tilespmem:s31+$0xA850] =	vst v6;
	v7 =	vmul.f32 $8.000000000e+00, v2;
	v2 =	vld [tilespmem:s31+$0xA8C0]  }
0x8d: {  	[tilespmem:s31+$0xA860] =	vst v5;
	v6 =	vmul.f32 $8.000000000e+00, v3;
	v3 =	vld [tilespmem:s31+$0xA8D0]  }
0x8e: {  	s1 =	sadd.s32 $0x400, s1;
	[tilespmem:s31+$0xA870] =	vst v7;
	v5 =	vmul.f32 $8.000000000e+00, v4;
	v4 =	vld [tilespmem:s31+$0xA8E0]  }
0x8f: {  	[tilespmem:s31+$0xA880] =	vst v6;
	v1 =	vmul.f32 $8.000000000e+00, v1;
	v59 =	vld [tilespmem:s31+$0xA8F0]  }
0x90: {  	[tilespmem:s31+$0xA890] =	vst v5;
	v0 =	vmul.f32 $8.000000000e+00, v0  }
0x91: {  	[tilespmem:s31+$0xA8A0] =	vst v1;
	v60 =	vmul.f32 $8.000000000e+00, v2  }
0x92: {  	[tilespmem:s31+$0xA8B0] =	vst v0;
	v61 =	vmul.f32 $8.000000000e+00, v3  }
0x93: {  	[tilespmem:s31+$0xA8C0] =	vst v60;
	v62 =	vmul.f32 $8.000000000e+00, v4  }
0x94: {  	[tilespmem:s31+$0xA8D0] =	vst v61;
	v63 =	vmul.f32 $8.000000000e+00, v59  }
0x95: {  	s0 =	sshll.u32 s29, $0xD;
	[tilespmem:s31+$0xA8E0] =	vst v62  }
.Ltmp4:
0x96: {  	s0 =	sadd.s32 s8, s0;
	[tilespmem:s31+$0xA8F0] =	vst v63;
	(pc) =	sbr.rel @p0 .LBB2_8-.Ltmp4, $4  }
0x97: {  	[hbm4b:s0+s3] =	stream.linear.scatter [tilespmem:s18], [sflag:$0x3], $0x8000, $0x38;
	[tilespmem:$0x12800] =	vst v63  }
0x98: {  	_ =	swait.ge [sflag:s9], $0x8000  }
0x99: {  	[sflag:s9] =	ssyncset.done $0x0  }
0x9a: {  	[sflag:s9] =	ssyncadd.s32 $0xFFFF8000  }
0x9b: {  	s0 =	sshrl.u32 s30, $0x2  }
0x9c: {  	s1 =	sadd.s32 $0x600, s0  }
0x9d: {  	[tilespmem:s18], [sflag:$0x2] =	stream.indirect.gather [hbm4b:s4+s10], $0x40, s1, s10, $0xb8;
	[tilespmem:$0x12800] =	vst v63  }
0x9e: {  	s30 =	sadd.s32 $0x680, s0  }
0x9f: {  	[tilespmem:s20], [sflag:$0x2] =	stream.indirect.gather [hbm4b:s4+s10], $0x40, s30, s10, $0xb8;
	[tilespmem:$0x12800] =	vst v63  }
.Ltmp5:
0xa0: {  	_ = 	snop;
	(pc) =	sbr.rel .LBB2_2-.Ltmp5, $4  }
0xa1: {  	s31 =	sadd.s32 $0x700, s0  }
0xa2: {  	[tilespmem:s22], [sflag:$0x2] =	stream.indirect.gather [hbm4b:s4+s10], $0x40, s31, s10, $0xb8;
	[tilespmem:$0x12800] =	vst v63  }
0xa3: {  	s29 =	sadd.s32 $0x1, s29;
	s0 =	sadd.s32 $0x780, s0  }
0xa4: {  	[tilespmem:s24], [sflag:$0x2] =	stream.indirect.gather [hbm4b:s4+s10], $0x40, s0, s10, $0xb8;
	[tilespmem:$0x12800] =	vst v63  }
.LBB2_9:
0xa5: {  	_ =	sfence.sel $0x180000  }
0xa6: {  	[bflag:$0x0] =	sbarrier.arrive $0xFFFF  }
0xa7: {  	_ =	strace $0x90000047  }
0xa8: {  	s0 =	stileid.u32;
	[bflag:$0x2] =	sbarrier.arrive $0xFFFF  }
0xa9: {  	p0 =	sne.s32 s0, $0x0;
	s0 =	rddreg [dreg:$0x2]  }
0xaa: {  	s0 =	sadd.s32 @!p0 $0x100000, s0  }
0xab: {  	[sflag:s0] =	ssyncadd.tile.s32 @!p0 $0x1;
	_ =	shalt  }
.Lfunc_end2:
_tile_overlayer_lowered:
.L_overlay_start_2:
0xac: {  	(tag) =	ssettag $0x2  }
0xad: {  	s0 =	rddreg [dreg:$0x0];
	s2 =	stileid.u32  }
0xae: {  	s1 =	rddreg [dreg:$0x1];
	p0 =	sne.s32 s2, $0x0  }
0xaf: {  	s3 =	rddreg [dreg:$0x2];
	[bflag:$0x3] =	sbarrier.arrive $0xFFFF;
	s2 =	simm.s32 @!p0 $0x1C03  }
0xb0: {  	[timem:s3], [sflag:s2] =	dma.local @!p0 [hbm:s0], s1  }
0xb1: {  	s0 =	simm.s32 @!p0 $0x3  }
0xb2: {  	_ =	swait.ge @!p0 [sflag:s0], s1  }
0xb3: {  	s1 =	ssub.s32 @!p0 $0x0, s1;
	[sflag:s0] =	ssyncset.done @!p0 $0x0  }
0xb4: {  	[sflag:s0] =	ssyncadd.s32 @!p0 s1  }
0xb5: {  	[bflag:$0x3] =	sbarrier.arrive $0xFFFF  }
0xb6: {  	_ =	shalt  }

// kernel: sparse-core-data-format-call.cloned.1.call-start
scs
called_computation_lowered:
.L_overlay_start_0:
0x0: {  	s2 =	sld [smem:$0x3FD9]  }
0x1: {  	s3 =	sld [smem:$0x3FFE];
	_ =	sdelay $0x1  }
0x2: {  	s1 =	srdreg.scid  }
0x3: {  	s0 =	sand.u32 $0x1, s1  }
0x4: {  	s18 =	sshll.u32 s0, $0xA;
	s2 =	sadd.s32 s3, s2  }
0x5: {  	s2 =	sadd.s32 s2, s18  }
0x6: {  	[smem:$0x3FC6] =	sst s2  }
0x7: {  	_ = 	snop  }
0x8: {  	s2 =	sld [smem:$0x3FD0];
	(tm) =	ssettm $0x1  }
0x9: {  	s19 =	sld [smem:$0x3FFB];
	_ =	sdelay $0x3  }
0xa: {  	_ =	strace s19  }
0xb: {  	s3 =	sld [smem:$0x3FFC];
	_ =	sdelay $0x3  }
0xc: {  	_ =	strace s3  }
0xd: {  	s3 =	sld [smem:$0x3FFD];
	_ =	sdelay $0x3  }
0xe: {  	_ =	strace s3  }
0xf: {  	_ =	strace $0x8FFFFFFF  }
0x10: {  	s20 =	sld [smem:$0x3FDB];
	_ =	sdelay $0x1  }
0x11: {  	s4 =	simm.s32 $_scs_section_size  }
0x12: {  	s5 =	simm.s32 $_size__tile_overlayer_lowered;
	s6 =	simm.s32 $_tile_overlayer_lowered  }
0x13: {  	s23 =	simm.s32 $0x1BFF;
	s22 =	sshll.u32 s6, $0x1;
	s3 =	sadd.s32 s4, s20  }
0x14: {  	s7 =	simm.s32 $0x0;
	s21 =	sshll.u32 s5, $0x1;
	s5 =	sadd.s32 s22, s3  }
0x15: {  	[timem:s7], [sflag:s23] =	dma.local [hbm:s5], s21  }
0x16: {  	_ =	swait.ge [sflag:s23], s21  }
0x17: {  	s4 =	ssub.s32 $0x0, s21;
	[sflag:s23] =	ssyncset.done $0x0  }
0x18: {  	[sflag:s23] =	ssyncadd.s32 s4;
	_ =	sdelay $0x1  }
0x19: {  	s24 =	simm.s32 $0x1B8B  }
0x1a: {  	_ =	swait.ge [sflag:s24], $0x1  }
0x1b: {  	[sflag:s24] =	ssyncset.done $0x0  }
0x1c: {  	s26 =	simm.s32 $0x1B8E;
	s25 =	sld [smem:$0x3FFE];
	[sflag:s24] =	ssyncadd.s32 $0xFFFFFFFF  }
0x1d: {  	s27 =	simm.s32 $execute0_lowered;
	[smem:$0x3FD2] =	sst s26  }
0x1e: {  	s5 =	sshll.u32 s27, $0x1;
	_ =	strace $0x80000049;
	[dreg:$0x1] =	wrdreg $0xFFFFFFFF  }
0x1f: {  	s28 =	simm.s32 $_size_execute0_lowered;
	s3 =	sadd.s32 s3, s5;
	[dreg:$0x0] =	wrdreg $0x0  }
0x20: {  	s5 =	sshll.u32 s28, $0x1;
	[dreg:$0x2] =	wrdreg s3  }
0x21: {  	[dreg:$0x3] =	wrdreg s5  }
0x22: {  	[dreg:$0x4] =	wrdreg $0xC0  }
0x23: {  	_ =	task [dreg:s7], $0x5FFFF  }
0x24: {  	[dreg:$0x1] =	wrdreg $0xFFFFFFFF  }
0x25: {  	[dreg:$0x0] =	wrdreg $0x60  }
0x26: {  	[dreg:$0x2] =	wrdreg s25  }
0x27: {  	[dreg:$0x3] =	wrdreg s2  }
0x28: {  	[dreg:$0x4] =	wrdreg $0x9  }
0x29: {  	_ =	task.clear_ibuf [dreg:s7], $0x5FFFF;
	_ =	strace $0x90000049  }
0x2a: {  	s29 =	simm.s32 $0x9;
	_ =	strace $0x8000004B  }
0x2b: {  	_ =	swait.ge [sflag:s29], $0x1  }
0x2c: {  	[sflag:s29] =	ssyncadd.s32 $0xFFFFFFFF  }
0x2d: {  	_ =	strace $0x9000004B  }
0x2e: {  	_ =	sfence  }
0x2f: {  	s30 =	sld [smem:$0x0];
	_ =	sdelay $0x2  }
0x30: {  	s31 =	sshll.u32 s1, $0xD;
	s1 =	sshrl.u32 s1, $0x2  }
0x31: {  	s3 =	sand.u32 $0x4000, s31;
	s1 =	sadd.s32 s1, s30  }
0x32: {  	s0 =	sor.u32 s3, s0;
	s1 =	sshll.u32 s1, $0x11  }
0x33: {  	s0 =	sor.u32 s1, s0  }
0x34: {  	s0 =	sadd.s32 $0x8F2B, s0  }
0x35: {  	[sflag:s0] =	ssyncadd.remote.s32 $0x1  }
0x36: {  	_ =	sfence.sel $0xFFFF  }
0x37: {  	[dreg:$0x0] =	wrdreg $0xFFFFFFFF;
	(pc) =	sbr.abs _section_cstart, $3  }
0x38: {  	[dreg:$0x1] =	wrdreg $0xFFFFFFFF  }
0x39: {  	_ =	task.clear_ibuf [dreg:s7], $0x2FFFF;
	_ =	strace $0x9FFFFFFF  }
0x3a: {  	(tm) =	ssettm $0x7FFFFFFF  }
0x3b: {  	_ =	shalt  }
tec
execute0_lowered:
.L_overlay_start_1:
0x0: {  	(tag) =	ssettag $0x1  }
0x1: {  	s0 =	srdreg.scid  }
0x2: {  	s1 =	sshll.u32 s0, $0x4  }
0x3: {  	s0 =	stileid.u32;
	s1 =	sand.u32 $0x10, s1  }
0x4: {  	s1 =	sor.u32 s0, s1  }
0x5: {  	s6 =	rddreg [dreg:$0x0];
	s4 =	simm.s32 $0x1;
	s2 =	sshll.u32 s1, $0x7  }
0x6: {  	s7 =	simm.s32 $0x2;
	s12 =	simm.s32 $0x0;
	s1 =	ssub.s32 $0x4000, s2  }
0x7: {  	s8 =	simm.s32 $0x20000;
	s13 =	simm.s32 $0x0;
	s3 =	sand.u32 $0xF80, s1  }
0x8: {  	s9 =	simm.s32 $0x0;
	s5 =	sshrl.u32 s1, $0xC;
	p0 =	sne.s32 s3, $0x0  }
.Ltmp0:
0x9: {  	s1 =	rddreg [dreg:$0x2];
	s4 =	simm.s32 @!p0 $0x0;
	(pc) =	sbr.rel .LBB1_1-.Ltmp0, $4  }
0xa: {  	s11 =	simm.s32 $0x0;
	s3 =	rddreg [dreg:$0x1];
	s5 =	sadd.s32 s4, s5  }
0xb: {  	_ =	strace $0x8000004A;
	s4 =	simm.s32 $0x1;
	s5 =	smul.u32 $0x14, s5  }
0xc: {  	s6 =	sadd.s32 $0xA00, s6;
	s10 =	smov.u32 s2;
	[sflag:s4] =	ssyncpa.u1 $0x0  }
0xd: {  	p0 =	por $0x0, $0x0;
	[sflag:s7] =	ssyncpa.u1 $0x0;
	s7 =	sor.u32 $0x1, s5  }
.LBB1_4:
0xe: {  	s16 =	sshll.u32 s13, $0x3;
	s17 =	sand.u32 $0x78, s13  }
0xf: {  	s30 =	sand.u32 $0x1F800, s13;
	s12 =	sshll.u32 s12, $0x11;
	s16 =	sand.u32 $0x3C00, s16  }
0x10: {  	[tilespmem:s15+$0x810 ss:$0x81] =	vst.msk $0xffff, v2;
	s31 =	sand.u32 $0x7, s13;
	s16 =	sor.u32 s17, s16;
	s17 =	sadd.s32 s3, s30  }
0x11: {  	[tilespmem:s15+$0x1020 ss:$0x81] =	vst.msk $0xffff, v0;
	s13 =	sshll.u32 s31, $0x12;
	s12 =	sadd.s32 s12, s17;
	s16 =	sshrl.u32 s16, $0x3  }
0x12: {  	[tilespmem:s15+$0x0 ss:$0x81] =	vst.msk $0xffff, v1;
	s13 =	sor.u32 $0x400, s13;
	s12 =	sadd.s32 s16, s12  }
0x13: {  	[hbm4b:s12+s13] =	stream.strided.scatter [tilespmem:s14], [sflag:$0x2], $0x2000, s8, s13, $0x20;
	[tilespmem:$0x8080] =	vst v63  }
.LBB1_5:
0x14: {  	s14 =	sadd.s32 $0x1, s9  }
0x15: {  	s12 =	sadd.s32 $0x1000, s10;
	s16 =	smov.u32 s10;
	p2 =	sgt.s32 s14, $0x13  }
0x16: {  	s16 =	smov.u32 @p2 s12  }
0x17: {  	s14 =	simm.s32 @p2 $0x0;
	p2 =	sgt.s32 s16, $0x3FFF  }
0x18: {  	s16 =	smov.u32 @p2 s2;
	p2 =	sne.s32 s11, s7  }
.Ltmp1:
0x19: {  	p1 =	slt.u32 s11, $0x2;
	(pc) =	sbr.rel @!p2 .LBB1_6-.Ltmp1, $4  }
0x1a: {  	s15 =	simm.s32 @!p1 $0x2  }
0x1b: {  	s13 =	smov.u32 s10;
	p0 =	por !p0, !p0;
	_ =	swait.ge @!p1 [sflag:s15], $0x2000  }
0x1c: {  	s12 =	smov.u32 s9;
	[sflag:s15] =	ssyncset.done @!p1 $0x0;
	s9 =	smov.u32 s14  }
0x1d: {  	s11 =	sadd.s32 $0x1, s11;
	[sflag:s15] =	ssyncadd.s32 @!p1 $0xFFFFE000;
	s10 =	smov.u32 s16  }
.LBB1_1:
0x1e: {  	p1 =	sge.u32 s11, s5  }
0x1f: {  	s14 =	sand.u32 @!p1 $0x1FFFFFF, s9  }
0x20: {  	s15 =	smulhi.u32 @!p1 $0xAAAAAAB, s14;
	_ =	sdelay $0x1  }
0x21: {  	s15 =	smul.u32 @!p1 $0x18, s15  }
0x22: {  	s16 =	sxor.u32 @!p1 $0xFFFFFFFF, s11;
	s17 =	smul.u32 @!p1 $0x180, s10  }
0x23: {  	s31 =	sadd.s32 $0xFFFFFFFF, s11;
	s16 =	sshll.u32 @!p1 s16, $0xD;
	s14 =	ssub.s32 @!p1 s14, s15  }
0x24: {  	s15 =	sand.u32 @!p1 $0x2000, s16;
	s16 =	sadd.s32 @!p1 s6, s17;
	s14 =	sshll.u32 @!p1 s14, $0x4  }
0x25: {  	s17 =	simm.s32 @!p1 $0xC00;
	s14 =	sadd.s32 @!p1 s14, s16;
	s16 =	simm.s32 @!p1 $0x40  }
0x26: {  	[tilespmem:s15], [sflag:$0x1] =	stream.strided.gather @!p1 [hbm4b:s14+s16], $0x2000, s17, s16, $0x38;
	[tilespmem:$0x8080] =	vst v63  }
0x27: {  	p1 =	sge.u32 s31, s5  }
.Ltmp2:
0x28: {  	_ = 	snop;
	(pc) =	sbr.rel @p1 .LBB1_5-.Ltmp2, $1  }
0x29: {  	_ =	sdelay $0x3  }
0x2a: {  	s14 =	simm.s32 $0x1  }
0x2b: {  	_ =	swait.ge [sflag:s4], $0x2000;
	s14 =	simm.s32 @!p0 $0x0  }
0x2c: {  	[sflag:s4] =	ssyncset.done $0x0;
	s15 =	sshll.u32 s14, $0xD  }
0x2d: {  	[sflag:s4] =	ssyncadd.s32 $0xFFFFE000;
	s18 =	sor.u32 $0x20, s15  }
0x2e: {  	s14 =	smul.u32 $0x8100, s14;
	v3 =	vld [tilespmem:s18+$0x10]  }
0x2f: {  	s30 =	sand.u32 $0x1, s11;
	v2 =	vld [tilespmem:s18+$0xFFFFFFF0]  }
0x30: {  	s15 =	smul.u32 $0x8100, s30;
	s14 =	sshrl.u32 s14, $0x2;
	v0 =	vld [tilespmem:s18+$0x0]  }
0x31: {  	v1 =	vld [tilespmem:s18+$0xFFFFFFE0];
	s16 =	sor.u32 $0x4000, s14  }
0x32: {  	s31 =	sshrl.u32 s15, $0x2;
	s15 =	sadd.s32 $0x0, s16  }
0x33: {  	s17 =	simm.s32 $0x4;
	s18 =	sadd.s32 $0x40, s18;
	s14 =	sor.u32 $0x4000, s31;
	[tilespmem:s15+$0x1830 ss:$0x81] =	vst.msk $0xffff, v3  }
.LBB1_3:
0x34: {  	v3 =	vld [tilespmem:s18+$0x10];
	p1 =	sne.s32 s17, $0x1FC;
	[tilespmem:s15+$0x810 ss:$0x81] =	vst.msk $0xffff, v2;
	s19 =	smov.u32 s17;
	s17 =	sadd.s32 $0x4, s17  }
.Ltmp3:
0x35: {  	v2 =	vld [tilespmem:s18+$0xFFFFFFF0];
	[tilespmem:s15+$0x1020 ss:$0x81] =	vst.msk $0xffff, v0;
	(pc) =	sbr.rel @p1 .LBB1_3-.Ltmp3, $4  }
0x36: {  	v0 =	vld [tilespmem:s18+$0x0];
	[tilespmem:s15+$0x0 ss:$0x81] =	vst.msk $0xffff, v1  }
0x37: {  	s15 =	sshra.s32 s19, $0x2;
	v1 =	vld [tilespmem:s18+$0xFFFFFFE0]  }
0x38: {  	s15 =	sadd.s32 s15, s16  }
0x39: {  	s18 =	sadd.s32 $0x40, s18;
	[tilespmem:s15+$0x1830 ss:$0x81] =	vst.msk $0xffff, v3  }
.Ltmp4:
0x3a: {  	_ = 	snop;
	(pc) =	sbr.rel .LBB1_4-.Ltmp4, $1  }
0x3b: {  	_ =	sdelay $0x3  }
.LBB1_6:
0x3c: {  	_ =	sfence.sel $0x180000  }
0x3d: {  	s2 =	simm.s32 $0x1;
	[bflag:$0x0] =	sbarrier.arrive $0xFFFF  }
0x3e: {  	s31 =	simm.s32 $0x2;
	[sflag:s2] =	ssyncpa.u1 $0x1  }
0x3f: {  	[sflag:s31] =	ssyncpa.u1 $0x1  }
0x40: {  	p0 =	sne.s32 s0, $0x0;
	_ =	strace $0x9000004A  }
0x41: {  	s0 =	sadd.s32 @!p0 $0x100000, s1;
	[bflag:$0x2] =	sbarrier.arrive $0xFFFF  }
0x42: {  	[sflag:s0] =	ssyncadd.tile.s32 @!p0 $0x1;
	_ =	shalt  }
.Lfunc_end1:
_tile_overlayer_lowered:
.L_overlay_start_2:
0x43: {  	(tag) =	ssettag $0x2  }
0x44: {  	s0 =	rddreg [dreg:$0x0];
	s2 =	stileid.u32  }
0x45: {  	s1 =	rddreg [dreg:$0x1];
	p0 =	sne.s32 s2, $0x0  }
0x46: {  	s3 =	rddreg [dreg:$0x2];
	[bflag:$0x3] =	sbarrier.arrive $0xFFFF;
	s2 =	simm.s32 @!p0 $0x1C01  }
0x47: {  	[timem:s3], [sflag:s2] =	dma.local @!p0 [hbm:s0], s1  }
0x48: {  	s0 =	simm.s32 @!p0 $0x1  }
0x49: {  	_ =	swait.ge @!p0 [sflag:s0], s1  }
0x4a: {  	s1 =	ssub.s32 @!p0 $0x0, s1;
	[sflag:s0] =	ssyncset.done @!p0 $0x0  }
0x4b: {  	[sflag:s0] =	ssyncadd.s32 @!p0 s1  }
0x4c: {  	[bflag:$0x3] =	sbarrier.arrive $0xFFFF  }
0x4d: {  	_ =	shalt  }

</sc_bundles>
